<compile_context>
chip_gen: v7x
topology: tpu7x:2x2x1
jax: 0.10.2.dev20260603
libtpu: 0.0.44.dev20260713+nightly
codegen_flags: <defaults>
</compile_context>

<pallas_src>
import functools

import jax
import jax.numpy as jnp
from jax import lax
from jax.experimental import pallas as pl
from jax.experimental.pallas import tpu as pltpu
from jax.experimental.pallas import tpu_sc as plsc


def _make_gather(B, H, V, D, NC, NS):
    NW = NC * NS
    N = B * H
    b_per_w = B // NW
    n_per_w = N // NW
    C = n_per_w
    while n_per_w % C != 0 or (2 * n_per_w + 2 * C * D) > 121000:
        C = C // 2 if n_per_w % (C // 2) == 0 else C - 1
    n_chunks = n_per_w // C

    mesh = plsc.VectorSubcoreMesh(core_axis_name="c", subcore_axis_name="s")

    @functools.partial(
        pl.kernel,
        mesh=mesh,
        compiler_params=pltpu.CompilerParams(
            use_tc_tiling_on_sc=False, needs_layout_passes=False
        ),
        out_type=jax.ShapeDtypeStruct((N, D), jnp.float32),
        scratch_types=[
            pltpu.VMEM((H, b_per_w + 1), jnp.int32),
            pltpu.VMEM((n_per_w,), jnp.int32),
            pltpu.VMEM((2, C, D), jnp.float32),
            pltpu.SemaphoreType.DMA,
            pltpu.SemaphoreType.DMA,
        ],
    )
    def emb(xt_hbm, table_hbm, out_hbm, xb_v, idx_v, rows_v, gsem, osem):
        wid = lax.axis_index("s") * NC + lax.axis_index("c")
        base = wid * n_per_w
        pltpu.sync_copy(
            xt_hbm.at[:, pl.ds(wid * b_per_w, b_per_w)],
            xb_v.at[:, pl.ds(0, b_per_w)],
        )

        def reorder(g, carry):
            h, bo = carry
            idx_v[pl.ds(g * 16, 16)] = plsc.load_gather(xb_v, [h, bo])
            h2 = h + 16
            wrap = h2 >= H
            h2 = jnp.where(wrap, h2 - H, h2)
            bo2 = jnp.where(wrap, bo + 1, bo)
            return (h2, bo2)

        lax.fori_loop(
            0, n_per_w // 16, reorder,
            (lax.iota(jnp.int32, 16), jnp.zeros((16,), jnp.int32)),
        )
        copies = [None, None]
        out_copies = [None, None]
        for c in range(n_chunks):
            b = c % 2
            if out_copies[b] is not None:
                out_copies[b].wait()
                out_copies[b] = None
            copies[b] = pltpu.async_copy(
                table_hbm.at[idx_v.at[pl.ds(c * C, C)]], rows_v.at[b], gsem
            )
            if c > 0:
                pb = (c - 1) % 2
                copies[pb].wait()
                out_copies[pb] = pltpu.async_copy(
                    rows_v.at[pb], out_hbm.at[pl.ds(base + (c - 1) * C, C)], osem
                )
        lb = (n_chunks - 1) % 2
        copies[lb].wait()
        if n_chunks > 1 and out_copies[(n_chunks - 2) % 2] is not None:
            out_copies[(n_chunks - 2) % 2].wait()
        pltpu.sync_copy(rows_v.at[lb], out_hbm.at[pl.ds(base + (n_chunks - 1) * C, C)])

    return emb


def kernel(x, table):
    B, H = x.shape
    V, D = table.shape
    info = plsc.get_sparse_core_info()
    emb = _make_gather(B, H, V, D, info.num_cores, info.num_subcores)
    out = emb(x.T.astype(jnp.int32), table)
    return out.reshape(B, H, D)

# --- scband reference (transcript-rebuilt; emitter-appended) ---
"""Pipeline reference for scband-share-embedding-47493748359493 (READ-ONLY COPY).

The authoritative reference and input builder live on the scoring server;
editing this copy changes nothing except your own understanding.
"""

import jax, jax.numpy as jnp
import numpy as np

VOCAB = 1000000
EMBED_DIM = 64
BATCH = 4096
HIST = 50


def setup_inputs(seed: int = 0) -> dict:
    key = jax.random.key(seed)
    k_idx, k_tab = jax.random.split(key)
    x = jax.random.randint(k_idx, (BATCH, HIST), 0, VOCAB, dtype=jnp.int64 if jax.config.jax_enable_x64 else jnp.int32)
    table = jax.random.normal(k_tab, (VOCAB, EMBED_DIM), dtype=jnp.float32) * 0.02
    return {"x": x, "table": table}


def reference(x, table):
    # ShareEmbedding.__call__: return self.embedding(x)
    # Keras Embedding = row gather from the embedding table.
    return jnp.take(table, x, axis=0)

if __name__ == "__main__":
    import jax
    _d = setup_inputs()
    print(jax.jit(kernel)(*tuple(_d.values())))

</pallas_src>

<mosaic_0001>
#map = affine_map<(d0, d1) -> (0, 0)>
module attributes {stable_mosaic.version = 14 : i64} {
  func.func @emb(%arg0: i32, %arg1: i32, %arg2: memref<50x4096xi32, #tpu.memory_space<hbm>>, %arg3: memref<1000000x64xf32, #tpu.memory_space<hbm>>, %arg4: memref<204800x64xf32, #tpu.memory_space<hbm>>, %arg5: memref<50x129xi32, #tpu.memory_space<vmem>>, %arg6: memref<6400xi32, #tpu.memory_space<vmem>>, %arg7: memref<2x800x64xf32, #tpu.memory_space<vmem>>, %arg8: memref<!tpu.dma_semaphore, #tpu.memory_space<semaphore_mem>>, %arg9: memref<!tpu.dma_semaphore, #tpu.memory_space<semaphore_mem>>) attributes {dimension_semantics = [#tpu.dimension_semantics<core_parallel>, #tpu.dimension_semantics<subcore_parallel>], iteration_bounds = array<i64: 2, 16>, scalar_prefetch = 0 : i64, scratch_operands = 5 : i64, tpu.core_type = #tpu.core_type<sc_vector_subcore>, window_params = [{transform_indices = #map}, {transform_indices = #map}, {transform_indices = #map}]} {
    %mul3A = arith.constant 2 : i32
    %mul3A_0 = arith.muli %arg1, %mul3A : i32
    %add3A = arith.addi %mul3A_0, %arg0 : i32
    %mul3A_1 = arith.constant 6400 : i32
    %mul3A_2 = arith.muli %add3A, %mul3A_1 : i32
    %mul3A_3 = arith.constant 128 : i32
    %mul3A_4 = arith.muli %add3A, %mul3A_3 : i32
    "tpu.region"() ({
      %run_scoped3A_367 = tpu.sem_alloc : memref<!tpu.dma_semaphore, #tpu.memory_space<semaphore_mem>>
      %dma_start3A_368 = arith.constant 0 : i32
      %dma_start3A_369 = arith.constant 0 : i32
      %dma_start3A_370 = tpu.memref_slice %arg5[%dma_start3A_368, %dma_start3A_369] : memref<50x129xi32, #tpu.memory_space<vmem>> -> memref<50x128xi32, #tpu.memory_space<vmem>>
      %dma_start3A_371 = arith.constant 0 : i32
      %dma_start3A_372 = tpu.memref_slice %arg2[%dma_start3A_371, %mul3A_4] : memref<50x4096xi32, #tpu.memory_space<hbm>> -> memref<50x128xi32, #tpu.memory_space<hbm>>
      %dma_start3A_373 = arith.constant 0 : i32
      %dma_start3A_374 = arith.constant 0 : i32
      %dma_start3A_375 = tpu.memref_slice %arg5[%dma_start3A_373, %dma_start3A_374] : memref<50x129xi32, #tpu.memory_space<vmem>> -> memref<50x128xi32, #tpu.memory_space<vmem>>
      %dma_start3A_376 = arith.constant 0 : i32
      %dma_start3A_377 = tpu.memref_slice %arg2[%dma_start3A_376, %mul3A_4] : memref<50x4096xi32, #tpu.memory_space<hbm>> -> memref<50x128xi32, #tpu.memory_space<hbm>>
      tpu.enqueue_dma source(%dma_start3A_377 : memref<50x128xi32, #tpu.memory_space<hbm>>) target(%dma_start3A_375 : memref<50x128xi32, #tpu.memory_space<vmem>>) target_semaphore(%run_scoped3A_367 : memref<!tpu.dma_semaphore, #tpu.memory_space<semaphore_mem>>)
      %dma_wait3A_378 = arith.constant 0 : i32
      %dma_wait3A_379 = arith.constant 0 : i32
      %dma_wait3A_380 = tpu.memref_slice %arg5[%dma_wait3A_378, %dma_wait3A_379] : memref<50x129xi32, #tpu.memory_space<vmem>> -> memref<50x128xi32, #tpu.memory_space<vmem>>
      %dma_wait3A_381 = arith.constant 0 : i32
      %dma_wait3A_382 = tpu.memref_slice %arg2[%dma_wait3A_381, %mul3A_4] : memref<50x4096xi32, #tpu.memory_space<hbm>> -> memref<50x128xi32, #tpu.memory_space<hbm>>
      %dma_wait3A_383 = arith.constant 0 : i32
      %dma_wait3A_384 = arith.constant 0 : i32
      %dma_wait3A_385 = tpu.memref_slice %arg5[%dma_wait3A_383, %dma_wait3A_384] : memref<50x129xi32, #tpu.memory_space<vmem>> -> memref<50x128xi32, #tpu.memory_space<vmem>>
      %dma_wait3A_386 = arith.constant 0 : i32
      %dma_wait3A_387 = tpu.memref_slice %arg2[%dma_wait3A_386, %mul3A_4] : memref<50x4096xi32, #tpu.memory_space<hbm>> -> memref<50x128xi32, #tpu.memory_space<hbm>>
      tpu.wait_dma2 semaphore(%run_scoped3A_367 : memref<!tpu.dma_semaphore, #tpu.memory_space<semaphore_mem>>) src(%dma_wait3A_387 : memref<50x128xi32, #tpu.memory_space<hbm>>) dst(%dma_wait3A_385 : memref<50x128xi32, #tpu.memory_space<vmem>>)
      tpu.yield
    }) : () -> ()
    %iota3A = tpu.iota {dimensions = array<i32: 0>} : vector<16xi32>
    %broadcast_in_dim3A = arith.constant 0 : i32
    %broadcast_in_dim3A_5 = vector.broadcast %broadcast_in_dim3A : i32 to vector<16xi32>
    %scan3A = arith.constant 0 : i32
    %scan3A_6 = arith.constant 400 : i32
    %scan3A_7 = arith.addi %scan3A, %scan3A_6 : i32
    %scan3A_8 = arith.constant 1 : i32
    %scan3A_9:2 = scf.for %scan3A_367 = %scan3A to %scan3A_7 step %scan3A_8 iter_args(%scan3A_368 = %iota3A, %scan3A_369 = %broadcast_in_dim3A_5) -> (vector<16xi32>, vector<16xi32>)  : i32 {
      %gather3A = tpu.vector_load_idx %arg5[%scan3A_368, %scan3A_369] : memref<50x129xi32, #tpu.memory_space<vmem>>[vector<16xi32>, vector<16xi32>], vector<16xi32>,
      %mul3A_370 = arith.constant 16 : i32
      %mul3A_371 = arith.muli %scan3A_367, %mul3A_370 : i32
      %swap3A = arith.index_cast %mul3A_371 : i32 to index
      %swap3A_372 = tpu.vector_load %arg6[%swap3A] {strides = array<i32>} : memref<6400xi32, #tpu.memory_space<vmem>>, vector<16xi32>,
      tpu.vector_store %arg6[%swap3A], %gather3A {strides = array<i32>} : memref<6400xi32, #tpu.memory_space<vmem>>, vector<16xi32>,
      %add3A_373 = arith.constant 16 : i32
      %add3A_374 = vector.broadcast %add3A_373 : i32 to vector<16xi32>
      %add3A_375 = arith.addi %scan3A_368, %add3A_374 : vector<16xi32>
      %ge3A = arith.constant 50 : i32
      %ge3A_376 = vector.broadcast %ge3A : i32 to vector<16xi32>
      %ge3A_377 = arith.cmpi sge, %add3A_375, %ge3A_376 : vector<16xi32>
      %sub3A = arith.constant 50 : i32
      %sub3A_378 = vector.broadcast %sub3A : i32 to vector<16xi32>
      %sub3A_379 = arith.subi %add3A_375, %sub3A_378 : vector<16xi32>
      %select_n3A = arith.select %ge3A_377, %sub3A_379, %add3A_375 : vector<16xi1>, vector<16xi32>
      %add3A_380 = arith.constant 1 : i32
      %add3A_381 = vector.broadcast %add3A_380 : i32 to vector<16xi32>
      %add3A_382 = arith.addi %scan3A_369, %add3A_381 : vector<16xi32>
      %select_n3A_383 = arith.select %ge3A_377, %add3A_382, %scan3A_369 : vector<16xi1>, vector<16xi32>
      scf.yield %select_n3A, %select_n3A_383 : vector<16xi32>, vector<16xi32>
    }
    %scan3A_10 = arith.constant 400 : i32
    %dma_start3A = arith.constant 0 : i32
    %dma_start3A_11 = arith.constant 0 : i32
    %dma_start3A_12 = arith.constant 0 : i32
    %dma_start3A_13 = tpu.memref_slice %arg7[%dma_start3A, %dma_start3A_11, %dma_start3A_12] : memref<2x800x64xf32, #tpu.memory_space<vmem>> -> memref<1x800x64xf32, #tpu.memory_space<vmem>>
    %dma_start3A_14 = tpu.memref_squeeze %dma_start3A_13 : memref<1x800x64xf32, #tpu.memory_space<vmem>> -> memref<800x64xf32, #tpu.memory_space<vmem>>
    %dma_start3A_15 = arith.constant 0 : i32
    %dma_start3A_16 = tpu.memref_slice %arg6[%dma_start3A_15] : memref<6400xi32, #tpu.memory_space<vmem>> -> memref<800xi32, #tpu.memory_space<vmem>>
    %dma_start3A_17 = arith.constant 0 : i32
    %dma_start3A_18 = arith.constant 0 : i32
    %dma_start3A_19 = tpu.memref_slice %arg3[%dma_start3A_17, %dma_start3A_18] : memref<1000000x64xf32, #tpu.memory_space<hbm>> -> memref<1000000x64xf32, #tpu.memory_space<hbm>>
    tpu.enqueue_indirect_dma source(%dma_start3A_19 : memref<1000000x64xf32, #tpu.memory_space<hbm>>) target(%dma_start3A_14 : memref<800x64xf32, #tpu.memory_space<vmem>>) offsets(%dma_start3A_16 : memref<800xi32, #tpu.memory_space<vmem>>) semaphore(%arg8 : memref<!tpu.dma_semaphore, #tpu.memory_space<semaphore_mem>>)
    %dma_start3A_20 = arith.constant 1 : i32
    %dma_start3A_21 = arith.constant 0 : i32
    %dma_start3A_22 = arith.constant 0 : i32
    %dma_start3A_23 = tpu.memref_slice %arg7[%dma_start3A_20, %dma_start3A_21, %dma_start3A_22] : memref<2x800x64xf32, #tpu.memory_space<vmem>> -> memref<1x800x64xf32, #tpu.memory_space<vmem>>
    %dma_start3A_24 = tpu.memref_squeeze %dma_start3A_23 : memref<1x800x64xf32, #tpu.memory_space<vmem>> -> memref<800x64xf32, #tpu.memory_space<vmem>>
    %dma_start3A_25 = arith.constant 800 : i32
    %dma_start3A_26 = tpu.memref_slice %arg6[%dma_start3A_25] : memref<6400xi32, #tpu.memory_space<vmem>> -> memref<800xi32, #tpu.memory_space<vmem>>
    %dma_start3A_27 = arith.constant 0 : i32
    %dma_start3A_28 = arith.constant 0 : i32
    %dma_start3A_29 = tpu.memref_slice %arg3[%dma_start3A_27, %dma_start3A_28] : memref<1000000x64xf32, #tpu.memory_space<hbm>> -> memref<1000000x64xf32, #tpu.memory_space<hbm>>
    tpu.enqueue_indirect_dma source(%dma_start3A_29 : memref<1000000x64xf32, #tpu.memory_space<hbm>>) target(%dma_start3A_24 : memref<800x64xf32, #tpu.memory_space<vmem>>) offsets(%dma_start3A_26 : memref<800xi32, #tpu.memory_space<vmem>>) semaphore(%arg8 : memref<!tpu.dma_semaphore, #tpu.memory_space<semaphore_mem>>)
    %dma_wait3A = arith.constant 0 : i32
    %dma_wait3A_30 = arith.constant 0 : i32
    %dma_wait3A_31 = arith.constant 0 : i32
    %dma_wait3A_32 = tpu.memref_slice %arg7[%dma_wait3A, %dma_wait3A_30, %dma_wait3A_31] : memref<2x800x64xf32, #tpu.memory_space<vmem>> -> memref<1x800x64xf32, #tpu.memory_space<vmem>>
    %dma_wait3A_33 = tpu.memref_squeeze %dma_wait3A_32 : memref<1x800x64xf32, #tpu.memory_space<vmem>> -> memref<800x64xf32, #tpu.memory_space<vmem>>
    %dma_wait3A_34 = arith.constant 0 : i32
    %dma_wait3A_35 = tpu.memref_slice %arg6[%dma_wait3A_34] : memref<6400xi32, #tpu.memory_space<vmem>> -> memref<800xi32, #tpu.memory_space<vmem>>
    %dma_wait3A_36 = arith.constant 0 : i32
    %dma_wait3A_37 = arith.constant 0 : i32
    %dma_wait3A_38 = tpu.memref_slice %arg3[%dma_wait3A_36, %dma_wait3A_37] : memref<1000000x64xf32, #tpu.memory_space<hbm>> -> memref<1000000x64xf32, #tpu.memory_space<hbm>>
    tpu.wait_indirect_dma semaphore(%arg8 : memref<!tpu.dma_semaphore, #tpu.memory_space<semaphore_mem>>) src(%dma_wait3A_38 : memref<1000000x64xf32, #tpu.memory_space<hbm>>) dst(%dma_wait3A_33 : memref<800x64xf32, #tpu.memory_space<vmem>>)
    %add3A_39 = arith.constant 0 : i32
    %add3A_40 = arith.addi %mul3A_2, %add3A_39 : i32
    %dma_start3A_41 = arith.constant 0 : i32
    %dma_start3A_42 = arith.constant 0 : i32
    %dma_start3A_43 = arith.constant 0 : i32
    %dma_start3A_44 = tpu.memref_slice %arg7[%dma_start3A_41, %dma_start3A_42, %dma_start3A_43] : memref<2x800x64xf32, #tpu.memory_space<vmem>> -> memref<1x800x64xf32, #tpu.memory_space<vmem>>
    %dma_start3A_45 = tpu.memref_squeeze %dma_start3A_44 : memref<1x800x64xf32, #tpu.memory_space<vmem>> -> memref<800x64xf32, #tpu.memory_space<vmem>>
    %dma_start3A_46 = arith.constant 0 : i32
    %dma_start3A_47 = tpu.memref_slice %arg4[%add3A_40, %dma_start3A_46] : memref<204800x64xf32, #tpu.memory_space<hbm>> -> memref<800x64xf32, #tpu.memory_space<hbm>>
    %dma_start3A_48 = arith.constant 0 : i32
    %dma_start3A_49 = tpu.memref_slice %arg4[%add3A_40, %dma_start3A_48] : memref<204800x64xf32, #tpu.memory_space<hbm>> -> memref<800x64xf32, #tpu.memory_space<hbm>>
    %dma_start3A_50 = arith.constant 0 : i32
    %dma_start3A_51 = arith.constant 0 : i32
    %dma_start3A_52 = tpu.memref_slice %arg7[%dma_start3A_41, %dma_start3A_50, %dma_start3A_51] : memref<2x800x64xf32, #tpu.memory_space<vmem>> -> memref<1x800x64xf32, #tpu.memory_space<vmem>>
    %dma_start3A_53 = tpu.memref_squeeze %dma_start3A_52 : memref<1x800x64xf32, #tpu.memory_space<vmem>> -> memref<800x64xf32, #tpu.memory_space<vmem>>
    tpu.enqueue_dma source(%dma_start3A_53 : memref<800x64xf32, #tpu.memory_space<vmem>>) target(%dma_start3A_49 : memref<800x64xf32, #tpu.memory_space<hbm>>) target_semaphore(%arg9 : memref<!tpu.dma_semaphore, #tpu.memory_space<semaphore_mem>>)
    %dma_wait3A_54 = arith.constant 0 : i32
    %dma_wait3A_55 = arith.constant 0 : i32
    %dma_wait3A_56 = arith.constant 0 : i32
    %dma_wait3A_57 = tpu.memref_slice %arg7[%dma_wait3A_54, %dma_wait3A_55, %dma_wait3A_56] : memref<2x800x64xf32, #tpu.memory_space<vmem>> -> memref<1x800x64xf32, #tpu.memory_space<vmem>>
    %dma_wait3A_58 = tpu.memref_squeeze %dma_wait3A_57 : memref<1x800x64xf32, #tpu.memory_space<vmem>> -> memref<800x64xf32, #tpu.memory_space<vmem>>
    %dma_wait3A_59 = arith.constant 0 : i32
    %dma_wait3A_60 = tpu.memref_slice %arg4[%add3A_40, %dma_wait3A_59] : memref<204800x64xf32, #tpu.memory_space<hbm>> -> memref<800x64xf32, #tpu.memory_space<hbm>>
    %dma_wait3A_61 = arith.constant 0 : i32
    %dma_wait3A_62 = tpu.memref_slice %arg4[%add3A_40, %dma_wait3A_61] : memref<204800x64xf32, #tpu.memory_space<hbm>> -> memref<800x64xf32, #tpu.memory_space<hbm>>
    %dma_wait3A_63 = arith.constant 0 : i32
    %dma_wait3A_64 = arith.constant 0 : i32
    %dma_wait3A_65 = tpu.memref_slice %arg7[%dma_wait3A_54, %dma_wait3A_63, %dma_wait3A_64] : memref<2x800x64xf32, #tpu.memory_space<vmem>> -> memref<1x800x64xf32, #tpu.memory_space<vmem>>
    %dma_wait3A_66 = tpu.memref_squeeze %dma_wait3A_65 : memref<1x800x64xf32, #tpu.memory_space<vmem>> -> memref<800x64xf32, #tpu.memory_space<vmem>>
    tpu.wait_dma2 semaphore(%arg9 : memref<!tpu.dma_semaphore, #tpu.memory_space<semaphore_mem>>) src(%dma_wait3A_66 : memref<800x64xf32, #tpu.memory_space<vmem>>) dst(%dma_wait3A_62 : memref<800x64xf32, #tpu.memory_space<hbm>>)
    %dma_start3A_67 = arith.constant 0 : i32
    %dma_start3A_68 = arith.constant 0 : i32
    %dma_start3A_69 = arith.constant 0 : i32
    %dma_start3A_70 = tpu.memref_slice %arg7[%dma_start3A_67, %dma_start3A_68, %dma_start3A_69] : memref<2x800x64xf32, #tpu.memory_space<vmem>> -> memref<1x800x64xf32, #tpu.memory_space<vmem>>
    %dma_start3A_71 = tpu.memref_squeeze %dma_start3A_70 : memref<1x800x64xf32, #tpu.memory_space<vmem>> -> memref<800x64xf32, #tpu.memory_space<vmem>>
    %dma_start3A_72 = arith.constant 1600 : i32
    %dma_start3A_73 = tpu.memref_slice %arg6[%dma_start3A_72] : memref<6400xi32, #tpu.memory_space<vmem>> -> memref<800xi32, #tpu.memory_space<vmem>>
    %dma_start3A_74 = arith.constant 0 : i32
    %dma_start3A_75 = arith.constant 0 : i32
    %dma_start3A_76 = tpu.memref_slice %arg3[%dma_start3A_74, %dma_start3A_75] : memref<1000000x64xf32, #tpu.memory_space<hbm>> -> memref<1000000x64xf32, #tpu.memory_space<hbm>>
    tpu.enqueue_indirect_dma source(%dma_start3A_76 : memref<1000000x64xf32, #tpu.memory_space<hbm>>) target(%dma_start3A_71 : memref<800x64xf32, #tpu.memory_space<vmem>>) offsets(%dma_start3A_73 : memref<800xi32, #tpu.memory_space<vmem>>) semaphore(%arg8 : memref<!tpu.dma_semaphore, #tpu.memory_space<semaphore_mem>>)
    %dma_wait3A_77 = arith.constant 1 : i32
    %dma_wait3A_78 = arith.constant 0 : i32
    %dma_wait3A_79 = arith.constant 0 : i32
    %dma_wait3A_80 = tpu.memref_slice %arg7[%dma_wait3A_77, %dma_wait3A_78, %dma_wait3A_79] : memref<2x800x64xf32, #tpu.memory_space<vmem>> -> memref<1x800x64xf32, #tpu.memory_space<vmem>>
    %dma_wait3A_81 = tpu.memref_squeeze %dma_wait3A_80 : memref<1x800x64xf32, #tpu.memory_space<vmem>> -> memref<800x64xf32, #tpu.memory_space<vmem>>
    %dma_wait3A_82 = arith.constant 800 : i32
    %dma_wait3A_83 = tpu.memref_slice %arg6[%dma_wait3A_82] : memref<6400xi32, #tpu.memory_space<vmem>> -> memref<800xi32, #tpu.memory_space<vmem>>
    %dma_wait3A_84 = arith.constant 0 : i32
    %dma_wait3A_85 = arith.constant 0 : i32
    %dma_wait3A_86 = tpu.memref_slice %arg3[%dma_wait3A_84, %dma_wait3A_85] : memref<1000000x64xf32, #tpu.memory_space<hbm>> -> memref<1000000x64xf32, #tpu.memory_space<hbm>>
    tpu.wait_indirect_dma semaphore(%arg8 : memref<!tpu.dma_semaphore, #tpu.memory_space<semaphore_mem>>) src(%dma_wait3A_86 : memref<1000000x64xf32, #tpu.memory_space<hbm>>) dst(%dma_wait3A_81 : memref<800x64xf32, #tpu.memory_space<vmem>>)
    %add3A_87 = arith.constant 800 : i32
    %add3A_88 = arith.addi %mul3A_2, %add3A_87 : i32
    %dma_start3A_89 = arith.constant 1 : i32
    %dma_start3A_90 = arith.constant 0 : i32
    %dma_start3A_91 = arith.constant 0 : i32
    %dma_start3A_92 = tpu.memref_slice %arg7[%dma_start3A_89, %dma_start3A_90, %dma_start3A_91] : memref<2x800x64xf32, #tpu.memory_space<vmem>> -> memref<1x800x64xf32, #tpu.memory_space<vmem>>
    %dma_start3A_93 = tpu.memref_squeeze %dma_start3A_92 : memref<1x800x64xf32, #tpu.memory_space<vmem>> -> memref<800x64xf32, #tpu.memory_space<vmem>>
    %dma_start3A_94 = arith.constant 0 : i32
    %dma_start3A_95 = tpu.memref_slice %arg4[%add3A_88, %dma_start3A_94] : memref<204800x64xf32, #tpu.memory_space<hbm>> -> memref<800x64xf32, #tpu.memory_space<hbm>>
    %dma_start3A_96 = arith.constant 0 : i32
    %dma_start3A_97 = tpu.memref_slice %arg4[%add3A_88, %dma_start3A_96] : memref<204800x64xf32, #tpu.memory_space<hbm>> -> memref<800x64xf32, #tpu.memory_space<hbm>>
    %dma_start3A_98 = arith.constant 0 : i32
    %dma_start3A_99 = arith.constant 0 : i32
    %dma_start3A_100 = tpu.memref_slice %arg7[%dma_start3A_89, %dma_start3A_98, %dma_start3A_99] : memref<2x800x64xf32, #tpu.memory_space<vmem>> -> memref<1x800x64xf32, #tpu.memory_space<vmem>>
    %dma_start3A_101 = tpu.memref_squeeze %dma_start3A_100 : memref<1x800x64xf32, #tpu.memory_space<vmem>> -> memref<800x64xf32, #tpu.memory_space<vmem>>
    tpu.enqueue_dma source(%dma_start3A_101 : memref<800x64xf32, #tpu.memory_space<vmem>>) target(%dma_start3A_97 : memref<800x64xf32, #tpu.memory_space<hbm>>) target_semaphore(%arg9 : memref<!tpu.dma_semaphore, #tpu.memory_space<semaphore_mem>>)
    %dma_wait3A_102 = arith.constant 1 : i32
    %dma_wait3A_103 = arith.constant 0 : i32
    %dma_wait3A_104 = arith.constant 0 : i32
    %dma_wait3A_105 = tpu.memref_slice %arg7[%dma_wait3A_102, %dma_wait3A_103, %dma_wait3A_104] : memref<2x800x64xf32, #tpu.memory_space<vmem>> -> memref<1x800x64xf32, #tpu.memory_space<vmem>>
    %dma_wait3A_106 = tpu.memref_squeeze %dma_wait3A_105 : memref<1x800x64xf32, #tpu.memory_space<vmem>> -> memref<800x64xf32, #tpu.memory_space<vmem>>
    %dma_wait3A_107 = arith.constant 0 : i32
    %dma_wait3A_108 = tpu.memref_slice %arg4[%add3A_88, %dma_wait3A_107] : memref<204800x64xf32, #tpu.memory_space<hbm>> -> memref<800x64xf32, #tpu.memory_space<hbm>>
    %dma_wait3A_109 = arith.constant 0 : i32
    %dma_wait3A_110 = tpu.memref_slice %arg4[%add3A_88, %dma_wait3A_109] : memref<204800x64xf32, #tpu.memory_space<hbm>> -> memref<800x64xf32, #tpu.memory_space<hbm>>
    %dma_wait3A_111 = arith.constant 0 : i32
    %dma_wait3A_112 = arith.constant 0 : i32
    %dma_wait3A_113 = tpu.memref_slice %arg7[%dma_wait3A_102, %dma_wait3A_111, %dma_wait3A_112] : memref<2x800x64xf32, #tpu.memory_space<vmem>> -> memref<1x800x64xf32, #tpu.memory_space<vmem>>
    %dma_wait3A_114 = tpu.memref_squeeze %dma_wait3A_113 : memref<1x800x64xf32, #tpu.memory_space<vmem>> -> memref<800x64xf32, #tpu.memory_space<vmem>>
    tpu.wait_dma2 semaphore(%arg9 : memref<!tpu.dma_semaphore, #tpu.memory_space<semaphore_mem>>) src(%dma_wait3A_114 : memref<800x64xf32, #tpu.memory_space<vmem>>) dst(%dma_wait3A_110 : memref<800x64xf32, #tpu.memory_space<hbm>>)
    %dma_start3A_115 = arith.constant 1 : i32
    %dma_start3A_116 = arith.constant 0 : i32
    %dma_start3A_117 = arith.constant 0 : i32
    %dma_start3A_118 = tpu.memref_slice %arg7[%dma_start3A_115, %dma_start3A_116, %dma_start3A_117] : memref<2x800x64xf32, #tpu.memory_space<vmem>> -> memref<1x800x64xf32, #tpu.memory_space<vmem>>
    %dma_start3A_119 = tpu.memref_squeeze %dma_start3A_118 : memref<1x800x64xf32, #tpu.memory_space<vmem>> -> memref<800x64xf32, #tpu.memory_space<vmem>>
    %dma_start3A_120 = arith.constant 2400 : i32
    %dma_start3A_121 = tpu.memref_slice %arg6[%dma_start3A_120] : memref<6400xi32, #tpu.memory_space<vmem>> -> memref<800xi32, #tpu.memory_space<vmem>>
    %dma_start3A_122 = arith.constant 0 : i32
    %dma_start3A_123 = arith.constant 0 : i32
    %dma_start3A_124 = tpu.memref_slice %arg3[%dma_start3A_122, %dma_start3A_123] : memref<1000000x64xf32, #tpu.memory_space<hbm>> -> memref<1000000x64xf32, #tpu.memory_space<hbm>>
    tpu.enqueue_indirect_dma source(%dma_start3A_124 : memref<1000000x64xf32, #tpu.memory_space<hbm>>) target(%dma_start3A_119 : memref<800x64xf32, #tpu.memory_space<vmem>>) offsets(%dma_start3A_121 : memref<800xi32, #tpu.memory_space<vmem>>) semaphore(%arg8 : memref<!tpu.dma_semaphore, #tpu.memory_space<semaphore_mem>>)
    %dma_wait3A_125 = arith.constant 0 : i32
    %dma_wait3A_126 = arith.constant 0 : i32
    %dma_wait3A_127 = arith.constant 0 : i32
    %dma_wait3A_128 = tpu.memref_slice %arg7[%dma_wait3A_125, %dma_wait3A_126, %dma_wait3A_127] : memref<2x800x64xf32, #tpu.memory_space<vmem>> -> memref<1x800x64xf32, #tpu.memory_space<vmem>>
    %dma_wait3A_129 = tpu.memref_squeeze %dma_wait3A_128 : memref<1x800x64xf32, #tpu.memory_space<vmem>> -> memref<800x64xf32, #tpu.memory_space<vmem>>
    %dma_wait3A_130 = arith.constant 1600 : i32
    %dma_wait3A_131 = tpu.memref_slice %arg6[%dma_wait3A_130] : memref<6400xi32, #tpu.memory_space<vmem>> -> memref<800xi32, #tpu.memory_space<vmem>>
    %dma_wait3A_132 = arith.constant 0 : i32
    %dma_wait3A_133 = arith.constant 0 : i32
    %dma_wait3A_134 = tpu.memref_slice %arg3[%dma_wait3A_132, %dma_wait3A_133] : memref<1000000x64xf32, #tpu.memory_space<hbm>> -> memref<1000000x64xf32, #tpu.memory_space<hbm>>
    tpu.wait_indirect_dma semaphore(%arg8 : memref<!tpu.dma_semaphore, #tpu.memory_space<semaphore_mem>>) src(%dma_wait3A_134 : memref<1000000x64xf32, #tpu.memory_space<hbm>>) dst(%dma_wait3A_129 : memref<800x64xf32, #tpu.memory_space<vmem>>)
    %add3A_135 = arith.constant 1600 : i32
    %add3A_136 = arith.addi %mul3A_2, %add3A_135 : i32
    %dma_start3A_137 = arith.constant 0 : i32
    %dma_start3A_138 = arith.constant 0 : i32
    %dma_start3A_139 = arith.constant 0 : i32
    %dma_start3A_140 = tpu.memref_slice %arg7[%dma_start3A_137, %dma_start3A_138, %dma_start3A_139] : memref<2x800x64xf32, #tpu.memory_space<vmem>> -> memref<1x800x64xf32, #tpu.memory_space<vmem>>
    %dma_start3A_141 = tpu.memref_squeeze %dma_start3A_140 : memref<1x800x64xf32, #tpu.memory_space<vmem>> -> memref<800x64xf32, #tpu.memory_space<vmem>>
    %dma_start3A_142 = arith.constant 0 : i32
    %dma_start3A_143 = tpu.memref_slice %arg4[%add3A_136, %dma_start3A_142] : memref<204800x64xf32, #tpu.memory_space<hbm>> -> memref<800x64xf32, #tpu.memory_space<hbm>>
    %dma_start3A_144 = arith.constant 0 : i32
    %dma_start3A_145 = tpu.memref_slice %arg4[%add3A_136, %dma_start3A_144] : memref<204800x64xf32, #tpu.memory_space<hbm>> -> memref<800x64xf32, #tpu.memory_space<hbm>>
    %dma_start3A_146 = arith.constant 0 : i32
    %dma_start3A_147 = arith.constant 0 : i32
    %dma_start3A_148 = tpu.memref_slice %arg7[%dma_start3A_137, %dma_start3A_146, %dma_start3A_147] : memref<2x800x64xf32, #tpu.memory_space<vmem>> -> memref<1x800x64xf32, #tpu.memory_space<vmem>>
    %dma_start3A_149 = tpu.memref_squeeze %dma_start3A_148 : memref<1x800x64xf32, #tpu.memory_space<vmem>> -> memref<800x64xf32, #tpu.memory_space<vmem>>
    tpu.enqueue_dma source(%dma_start3A_149 : memref<800x64xf32, #tpu.memory_space<vmem>>) target(%dma_start3A_145 : memref<800x64xf32, #tpu.memory_space<hbm>>) target_semaphore(%arg9 : memref<!tpu.dma_semaphore, #tpu.memory_space<semaphore_mem>>)
    %dma_wait3A_150 = arith.constant 0 : i32
    %dma_wait3A_151 = arith.constant 0 : i32
    %dma_wait3A_152 = arith.constant 0 : i32
    %dma_wait3A_153 = tpu.memref_slice %arg7[%dma_wait3A_150, %dma_wait3A_151, %dma_wait3A_152] : memref<2x800x64xf32, #tpu.memory_space<vmem>> -> memref<1x800x64xf32, #tpu.memory_space<vmem>>
    %dma_wait3A_154 = tpu.memref_squeeze %dma_wait3A_153 : memref<1x800x64xf32, #tpu.memory_space<vmem>> -> memref<800x64xf32, #tpu.memory_space<vmem>>
    %dma_wait3A_155 = arith.constant 0 : i32
    %dma_wait3A_156 = tpu.memref_slice %arg4[%add3A_136, %dma_wait3A_155] : memref<204800x64xf32, #tpu.memory_space<hbm>> -> memref<800x64xf32, #tpu.memory_space<hbm>>
    %dma_wait3A_157 = arith.constant 0 : i32
    %dma_wait3A_158 = tpu.memref_slice %arg4[%add3A_136, %dma_wait3A_157] : memref<204800x64xf32, #tpu.memory_space<hbm>> -> memref<800x64xf32, #tpu.memory_space<hbm>>
    %dma_wait3A_159 = arith.constant 0 : i32
    %dma_wait3A_160 = arith.constant 0 : i32
    %dma_wait3A_161 = tpu.memref_slice %arg7[%dma_wait3A_150, %dma_wait3A_159, %dma_wait3A_160] : memref<2x800x64xf32, #tpu.memory_space<vmem>> -> memref<1x800x64xf32, #tpu.memory_space<vmem>>
    %dma_wait3A_162 = tpu.memref_squeeze %dma_wait3A_161 : memref<1x800x64xf32, #tpu.memory_space<vmem>> -> memref<800x64xf32, #tpu.memory_space<vmem>>
    tpu.wait_dma2 semaphore(%arg9 : memref<!tpu.dma_semaphore, #tpu.memory_space<semaphore_mem>>) src(%dma_wait3A_162 : memref<800x64xf32, #tpu.memory_space<vmem>>) dst(%dma_wait3A_158 : memref<800x64xf32, #tpu.memory_space<hbm>>)
    %dma_start3A_163 = arith.constant 0 : i32
    %dma_start3A_164 = arith.constant 0 : i32
    %dma_start3A_165 = arith.constant 0 : i32
    %dma_start3A_166 = tpu.memref_slice %arg7[%dma_start3A_163, %dma_start3A_164, %dma_start3A_165] : memref<2x800x64xf32, #tpu.memory_space<vmem>> -> memref<1x800x64xf32, #tpu.memory_space<vmem>>
    %dma_start3A_167 = tpu.memref_squeeze %dma_start3A_166 : memref<1x800x64xf32, #tpu.memory_space<vmem>> -> memref<800x64xf32, #tpu.memory_space<vmem>>
    %dma_start3A_168 = arith.constant 3200 : i32
    %dma_start3A_169 = tpu.memref_slice %arg6[%dma_start3A_168] : memref<6400xi32, #tpu.memory_space<vmem>> -> memref<800xi32, #tpu.memory_space<vmem>>
    %dma_start3A_170 = arith.constant 0 : i32
    %dma_start3A_171 = arith.constant 0 : i32
    %dma_start3A_172 = tpu.memref_slice %arg3[%dma_start3A_170, %dma_start3A_171] : memref<1000000x64xf32, #tpu.memory_space<hbm>> -> memref<1000000x64xf32, #tpu.memory_space<hbm>>
    tpu.enqueue_indirect_dma source(%dma_start3A_172 : memref<1000000x64xf32, #tpu.memory_space<hbm>>) target(%dma_start3A_167 : memref<800x64xf32, #tpu.memory_space<vmem>>) offsets(%dma_start3A_169 : memref<800xi32, #tpu.memory_space<vmem>>) semaphore(%arg8 : memref<!tpu.dma_semaphore, #tpu.memory_space<semaphore_mem>>)
    %dma_wait3A_173 = arith.constant 1 : i32
    %dma_wait3A_174 = arith.constant 0 : i32
    %dma_wait3A_175 = arith.constant 0 : i32
    %dma_wait3A_176 = tpu.memref_slice %arg7[%dma_wait3A_173, %dma_wait3A_174, %dma_wait3A_175] : memref<2x800x64xf32, #tpu.memory_space<vmem>> -> memref<1x800x64xf32, #tpu.memory_space<vmem>>
    %dma_wait3A_177 = tpu.memref_squeeze %dma_wait3A_176 : memref<1x800x64xf32, #tpu.memory_space<vmem>> -> memref<800x64xf32, #tpu.memory_space<vmem>>
    %dma_wait3A_178 = arith.constant 2400 : i32
    %dma_wait3A_179 = tpu.memref_slice %arg6[%dma_wait3A_178] : memref<6400xi32, #tpu.memory_space<vmem>> -> memref<800xi32, #tpu.memory_space<vmem>>
    %dma_wait3A_180 = arith.constant 0 : i32
    %dma_wait3A_181 = arith.constant 0 : i32
    %dma_wait3A_182 = tpu.memref_slice %arg3[%dma_wait3A_180, %dma_wait3A_181] : memref<1000000x64xf32, #tpu.memory_space<hbm>> -> memref<1000000x64xf32, #tpu.memory_space<hbm>>
    tpu.wait_indirect_dma semaphore(%arg8 : memref<!tpu.dma_semaphore, #tpu.memory_space<semaphore_mem>>) src(%dma_wait3A_182 : memref<1000000x64xf32, #tpu.memory_space<hbm>>) dst(%dma_wait3A_177 : memref<800x64xf32, #tpu.memory_space<vmem>>)
    %add3A_183 = arith.constant 2400 : i32
    %add3A_184 = arith.addi %mul3A_2, %add3A_183 : i32
    %dma_start3A_185 = arith.constant 1 : i32
    %dma_start3A_186 = arith.constant 0 : i32
    %dma_start3A_187 = arith.constant 0 : i32
    %dma_start3A_188 = tpu.memref_slice %arg7[%dma_start3A_185, %dma_start3A_186, %dma_start3A_187] : memref<2x800x64xf32, #tpu.memory_space<vmem>> -> memref<1x800x64xf32, #tpu.memory_space<vmem>>
    %dma_start3A_189 = tpu.memref_squeeze %dma_start3A_188 : memref<1x800x64xf32, #tpu.memory_space<vmem>> -> memref<800x64xf32, #tpu.memory_space<vmem>>
    %dma_start3A_190 = arith.constant 0 : i32
    %dma_start3A_191 = tpu.memref_slice %arg4[%add3A_184, %dma_start3A_190] : memref<204800x64xf32, #tpu.memory_space<hbm>> -> memref<800x64xf32, #tpu.memory_space<hbm>>
    %dma_start3A_192 = arith.constant 0 : i32
    %dma_start3A_193 = tpu.memref_slice %arg4[%add3A_184, %dma_start3A_192] : memref<204800x64xf32, #tpu.memory_space<hbm>> -> memref<800x64xf32, #tpu.memory_space<hbm>>
    %dma_start3A_194 = arith.constant 0 : i32
    %dma_start3A_195 = arith.constant 0 : i32
    %dma_start3A_196 = tpu.memref_slice %arg7[%dma_start3A_185, %dma_start3A_194, %dma_start3A_195] : memref<2x800x64xf32, #tpu.memory_space<vmem>> -> memref<1x800x64xf32, #tpu.memory_space<vmem>>
    %dma_start3A_197 = tpu.memref_squeeze %dma_start3A_196 : memref<1x800x64xf32, #tpu.memory_space<vmem>> -> memref<800x64xf32, #tpu.memory_space<vmem>>
    tpu.enqueue_dma source(%dma_start3A_197 : memref<800x64xf32, #tpu.memory_space<vmem>>) target(%dma_start3A_193 : memref<800x64xf32, #tpu.memory_space<hbm>>) target_semaphore(%arg9 : memref<!tpu.dma_semaphore, #tpu.memory_space<semaphore_mem>>)
    %dma_wait3A_198 = arith.constant 1 : i32
    %dma_wait3A_199 = arith.constant 0 : i32
    %dma_wait3A_200 = arith.constant 0 : i32
    %dma_wait3A_201 = tpu.memref_slice %arg7[%dma_wait3A_198, %dma_wait3A_199, %dma_wait3A_200] : memref<2x800x64xf32, #tpu.memory_space<vmem>> -> memref<1x800x64xf32, #tpu.memory_space<vmem>>
    %dma_wait3A_202 = tpu.memref_squeeze %dma_wait3A_201 : memref<1x800x64xf32, #tpu.memory_space<vmem>> -> memref<800x64xf32, #tpu.memory_space<vmem>>
    %dma_wait3A_203 = arith.constant 0 : i32
    %dma_wait3A_204 = tpu.memref_slice %arg4[%add3A_184, %dma_wait3A_203] : memref<204800x64xf32, #tpu.memory_space<hbm>> -> memref<800x64xf32, #tpu.memory_space<hbm>>
    %dma_wait3A_205 = arith.constant 0 : i32
    %dma_wait3A_206 = tpu.memref_slice %arg4[%add3A_184, %dma_wait3A_205] : memref<204800x64xf32, #tpu.memory_space<hbm>> -> memref<800x64xf32, #tpu.memory_space<hbm>>
    %dma_wait3A_207 = arith.constant 0 : i32
    %dma_wait3A_208 = arith.constant 0 : i32
    %dma_wait3A_209 = tpu.memref_slice %arg7[%dma_wait3A_198, %dma_wait3A_207, %dma_wait3A_208] : memref<2x800x64xf32, #tpu.memory_space<vmem>> -> memref<1x800x64xf32, #tpu.memory_space<vmem>>
    %dma_wait3A_210 = tpu.memref_squeeze %dma_wait3A_209 : memref<1x800x64xf32, #tpu.memory_space<vmem>> -> memref<800x64xf32, #tpu.memory_space<vmem>>
    tpu.wait_dma2 semaphore(%arg9 : memref<!tpu.dma_semaphore, #tpu.memory_space<semaphore_mem>>) src(%dma_wait3A_210 : memref<800x64xf32, #tpu.memory_space<vmem>>) dst(%dma_wait3A_206 : memref<800x64xf32, #tpu.memory_space<hbm>>)
    %dma_start3A_211 = arith.constant 1 : i32
    %dma_start3A_212 = arith.constant 0 : i32
    %dma_start3A_213 = arith.constant 0 : i32
    %dma_start3A_214 = tpu.memref_slice %arg7[%dma_start3A_211, %dma_start3A_212, %dma_start3A_213] : memref<2x800x64xf32, #tpu.memory_space<vmem>> -> memref<1x800x64xf32, #tpu.memory_space<vmem>>
    %dma_start3A_215 = tpu.memref_squeeze %dma_start3A_214 : memref<1x800x64xf32, #tpu.memory_space<vmem>> -> memref<800x64xf32, #tpu.memory_space<vmem>>
    %dma_start3A_216 = arith.constant 4000 : i32
    %dma_start3A_217 = tpu.memref_slice %arg6[%dma_start3A_216] : memref<6400xi32, #tpu.memory_space<vmem>> -> memref<800xi32, #tpu.memory_space<vmem>>
    %dma_start3A_218 = arith.constant 0 : i32
    %dma_start3A_219 = arith.constant 0 : i32
    %dma_start3A_220 = tpu.memref_slice %arg3[%dma_start3A_218, %dma_start3A_219] : memref<1000000x64xf32, #tpu.memory_space<hbm>> -> memref<1000000x64xf32, #tpu.memory_space<hbm>>
    tpu.enqueue_indirect_dma source(%dma_start3A_220 : memref<1000000x64xf32, #tpu.memory_space<hbm>>) target(%dma_start3A_215 : memref<800x64xf32, #tpu.memory_space<vmem>>) offsets(%dma_start3A_217 : memref<800xi32, #tpu.memory_space<vmem>>) semaphore(%arg8 : memref<!tpu.dma_semaphore, #tpu.memory_space<semaphore_mem>>)
    %dma_wait3A_221 = arith.constant 0 : i32
    %dma_wait3A_222 = arith.constant 0 : i32
    %dma_wait3A_223 = arith.constant 0 : i32
    %dma_wait3A_224 = tpu.memref_slice %arg7[%dma_wait3A_221, %dma_wait3A_222, %dma_wait3A_223] : memref<2x800x64xf32, #tpu.memory_space<vmem>> -> memref<1x800x64xf32, #tpu.memory_space<vmem>>
    %dma_wait3A_225 = tpu.memref_squeeze %dma_wait3A_224 : memref<1x800x64xf32, #tpu.memory_space<vmem>> -> memref<800x64xf32, #tpu.memory_space<vmem>>
    %dma_wait3A_226 = arith.constant 3200 : i32
    %dma_wait3A_227 = tpu.memref_slice %arg6[%dma_wait3A_226] : memref<6400xi32, #tpu.memory_space<vmem>> -> memref<800xi32, #tpu.memory_space<vmem>>
    %dma_wait3A_228 = arith.constant 0 : i32
    %dma_wait3A_229 = arith.constant 0 : i32
    %dma_wait3A_230 = tpu.memref_slice %arg3[%dma_wait3A_228, %dma_wait3A_229] : memref<1000000x64xf32, #tpu.memory_space<hbm>> -> memref<1000000x64xf32, #tpu.memory_space<hbm>>
    tpu.wait_indirect_dma semaphore(%arg8 : memref<!tpu.dma_semaphore, #tpu.memory_space<semaphore_mem>>) src(%dma_wait3A_230 : memref<1000000x64xf32, #tpu.memory_space<hbm>>) dst(%dma_wait3A_225 : memref<800x64xf32, #tpu.memory_space<vmem>>)
    %add3A_231 = arith.constant 3200 : i32
    %add3A_232 = arith.addi %mul3A_2, %add3A_231 : i32
    %dma_start3A_233 = arith.constant 0 : i32
    %dma_start3A_234 = arith.constant 0 : i32
    %dma_start3A_235 = arith.constant 0 : i32
    %dma_start3A_236 = tpu.memref_slice %arg7[%dma_start3A_233, %dma_start3A_234, %dma_start3A_235] : memref<2x800x64xf32, #tpu.memory_space<vmem>> -> memref<1x800x64xf32, #tpu.memory_space<vmem>>
    %dma_start3A_237 = tpu.memref_squeeze %dma_start3A_236 : memref<1x800x64xf32, #tpu.memory_space<vmem>> -> memref<800x64xf32, #tpu.memory_space<vmem>>
    %dma_start3A_238 = arith.constant 0 : i32
    %dma_start3A_239 = tpu.memref_slice %arg4[%add3A_232, %dma_start3A_238] : memref<204800x64xf32, #tpu.memory_space<hbm>> -> memref<800x64xf32, #tpu.memory_space<hbm>>
    %dma_start3A_240 = arith.constant 0 : i32
    %dma_start3A_241 = tpu.memref_slice %arg4[%add3A_232, %dma_start3A_240] : memref<204800x64xf32, #tpu.memory_space<hbm>> -> memref<800x64xf32, #tpu.memory_space<hbm>>
    %dma_start3A_242 = arith.constant 0 : i32
    %dma_start3A_243 = arith.constant 0 : i32
    %dma_start3A_244 = tpu.memref_slice %arg7[%dma_start3A_233, %dma_start3A_242, %dma_start3A_243] : memref<2x800x64xf32, #tpu.memory_space<vmem>> -> memref<1x800x64xf32, #tpu.memory_space<vmem>>
    %dma_start3A_245 = tpu.memref_squeeze %dma_start3A_244 : memref<1x800x64xf32, #tpu.memory_space<vmem>> -> memref<800x64xf32, #tpu.memory_space<vmem>>
    tpu.enqueue_dma source(%dma_start3A_245 : memref<800x64xf32, #tpu.memory_space<vmem>>) target(%dma_start3A_241 : memref<800x64xf32, #tpu.memory_space<hbm>>) target_semaphore(%arg9 : memref<!tpu.dma_semaphore, #tpu.memory_space<semaphore_mem>>)
    %dma_wait3A_246 = arith.constant 0 : i32
    %dma_wait3A_247 = arith.constant 0 : i32
    %dma_wait3A_248 = arith.constant 0 : i32
    %dma_wait3A_249 = tpu.memref_slice %arg7[%dma_wait3A_246, %dma_wait3A_247, %dma_wait3A_248] : memref<2x800x64xf32, #tpu.memory_space<vmem>> -> memref<1x800x64xf32, #tpu.memory_space<vmem>>
    %dma_wait3A_250 = tpu.memref_squeeze %dma_wait3A_249 : memref<1x800x64xf32, #tpu.memory_space<vmem>> -> memref<800x64xf32, #tpu.memory_space<vmem>>
    %dma_wait3A_251 = arith.constant 0 : i32
    %dma_wait3A_252 = tpu.memref_slice %arg4[%add3A_232, %dma_wait3A_251] : memref<204800x64xf32, #tpu.memory_space<hbm>> -> memref<800x64xf32, #tpu.memory_space<hbm>>
    %dma_wait3A_253 = arith.constant 0 : i32
    %dma_wait3A_254 = tpu.memref_slice %arg4[%add3A_232, %dma_wait3A_253] : memref<204800x64xf32, #tpu.memory_space<hbm>> -> memref<800x64xf32, #tpu.memory_space<hbm>>
    %dma_wait3A_255 = arith.constant 0 : i32
    %dma_wait3A_256 = arith.constant 0 : i32
    %dma_wait3A_257 = tpu.memref_slice %arg7[%dma_wait3A_246, %dma_wait3A_255, %dma_wait3A_256] : memref<2x800x64xf32, #tpu.memory_space<vmem>> -> memref<1x800x64xf32, #tpu.memory_space<vmem>>
    %dma_wait3A_258 = tpu.memref_squeeze %dma_wait3A_257 : memref<1x800x64xf32, #tpu.memory_space<vmem>> -> memref<800x64xf32, #tpu.memory_space<vmem>>
    tpu.wait_dma2 semaphore(%arg9 : memref<!tpu.dma_semaphore, #tpu.memory_space<semaphore_mem>>) src(%dma_wait3A_258 : memref<800x64xf32, #tpu.memory_space<vmem>>) dst(%dma_wait3A_254 : memref<800x64xf32, #tpu.memory_space<hbm>>)
    %dma_start3A_259 = arith.constant 0 : i32
    %dma_start3A_260 = arith.constant 0 : i32
    %dma_start3A_261 = arith.constant 0 : i32
    %dma_start3A_262 = tpu.memref_slice %arg7[%dma_start3A_259, %dma_start3A_260, %dma_start3A_261] : memref<2x800x64xf32, #tpu.memory_space<vmem>> -> memref<1x800x64xf32, #tpu.memory_space<vmem>>
    %dma_start3A_263 = tpu.memref_squeeze %dma_start3A_262 : memref<1x800x64xf32, #tpu.memory_space<vmem>> -> memref<800x64xf32, #tpu.memory_space<vmem>>
    %dma_start3A_264 = arith.constant 4800 : i32
    %dma_start3A_265 = tpu.memref_slice %arg6[%dma_start3A_264] : memref<6400xi32, #tpu.memory_space<vmem>> -> memref<800xi32, #tpu.memory_space<vmem>>
    %dma_start3A_266 = arith.constant 0 : i32
    %dma_start3A_267 = arith.constant 0 : i32
    %dma_start3A_268 = tpu.memref_slice %arg3[%dma_start3A_266, %dma_start3A_267] : memref<1000000x64xf32, #tpu.memory_space<hbm>> -> memref<1000000x64xf32, #tpu.memory_space<hbm>>
    tpu.enqueue_indirect_dma source(%dma_start3A_268 : memref<1000000x64xf32, #tpu.memory_space<hbm>>) target(%dma_start3A_263 : memref<800x64xf32, #tpu.memory_space<vmem>>) offsets(%dma_start3A_265 : memref<800xi32, #tpu.memory_space<vmem>>) semaphore(%arg8 : memref<!tpu.dma_semaphore, #tpu.memory_space<semaphore_mem>>)
    %dma_wait3A_269 = arith.constant 1 : i32
    %dma_wait3A_270 = arith.constant 0 : i32
    %dma_wait3A_271 = arith.constant 0 : i32
    %dma_wait3A_272 = tpu.memref_slice %arg7[%dma_wait3A_269, %dma_wait3A_270, %dma_wait3A_271] : memref<2x800x64xf32, #tpu.memory_space<vmem>> -> memref<1x800x64xf32, #tpu.memory_space<vmem>>
    %dma_wait3A_273 = tpu.memref_squeeze %dma_wait3A_272 : memref<1x800x64xf32, #tpu.memory_space<vmem>> -> memref<800x64xf32, #tpu.memory_space<vmem>>
    %dma_wait3A_274 = arith.constant 4000 : i32
    %dma_wait3A_275 = tpu.memref_slice %arg6[%dma_wait3A_274] : memref<6400xi32, #tpu.memory_space<vmem>> -> memref<800xi32, #tpu.memory_space<vmem>>
    %dma_wait3A_276 = arith.constant 0 : i32
    %dma_wait3A_277 = arith.constant 0 : i32
    %dma_wait3A_278 = tpu.memref_slice %arg3[%dma_wait3A_276, %dma_wait3A_277] : memref<1000000x64xf32, #tpu.memory_space<hbm>> -> memref<1000000x64xf32, #tpu.memory_space<hbm>>
    tpu.wait_indirect_dma semaphore(%arg8 : memref<!tpu.dma_semaphore, #tpu.memory_space<semaphore_mem>>) src(%dma_wait3A_278 : memref<1000000x64xf32, #tpu.memory_space<hbm>>) dst(%dma_wait3A_273 : memref<800x64xf32, #tpu.memory_space<vmem>>)
    %add3A_279 = arith.constant 4000 : i32
    %add3A_280 = arith.addi %mul3A_2, %add3A_279 : i32
    %dma_start3A_281 = arith.constant 1 : i32
    %dma_start3A_282 = arith.constant 0 : i32
    %dma_start3A_283 = arith.constant 0 : i32
    %dma_start3A_284 = tpu.memref_slice %arg7[%dma_start3A_281, %dma_start3A_282, %dma_start3A_283] : memref<2x800x64xf32, #tpu.memory_space<vmem>> -> memref<1x800x64xf32, #tpu.memory_space<vmem>>
    %dma_start3A_285 = tpu.memref_squeeze %dma_start3A_284 : memref<1x800x64xf32, #tpu.memory_space<vmem>> -> memref<800x64xf32, #tpu.memory_space<vmem>>
    %dma_start3A_286 = arith.constant 0 : i32
    %dma_start3A_287 = tpu.memref_slice %arg4[%add3A_280, %dma_start3A_286] : memref<204800x64xf32, #tpu.memory_space<hbm>> -> memref<800x64xf32, #tpu.memory_space<hbm>>
    %dma_start3A_288 = arith.constant 0 : i32
    %dma_start3A_289 = tpu.memref_slice %arg4[%add3A_280, %dma_start3A_288] : memref<204800x64xf32, #tpu.memory_space<hbm>> -> memref<800x64xf32, #tpu.memory_space<hbm>>
    %dma_start3A_290 = arith.constant 0 : i32
    %dma_start3A_291 = arith.constant 0 : i32
    %dma_start3A_292 = tpu.memref_slice %arg7[%dma_start3A_281, %dma_start3A_290, %dma_start3A_291] : memref<2x800x64xf32, #tpu.memory_space<vmem>> -> memref<1x800x64xf32, #tpu.memory_space<vmem>>
    %dma_start3A_293 = tpu.memref_squeeze %dma_start3A_292 : memref<1x800x64xf32, #tpu.memory_space<vmem>> -> memref<800x64xf32, #tpu.memory_space<vmem>>
    tpu.enqueue_dma source(%dma_start3A_293 : memref<800x64xf32, #tpu.memory_space<vmem>>) target(%dma_start3A_289 : memref<800x64xf32, #tpu.memory_space<hbm>>) target_semaphore(%arg9 : memref<!tpu.dma_semaphore, #tpu.memory_space<semaphore_mem>>)
    %dma_wait3A_294 = arith.constant 1 : i32
    %dma_wait3A_295 = arith.constant 0 : i32
    %dma_wait3A_296 = arith.constant 0 : i32
    %dma_wait3A_297 = tpu.memref_slice %arg7[%dma_wait3A_294, %dma_wait3A_295, %dma_wait3A_296] : memref<2x800x64xf32, #tpu.memory_space<vmem>> -> memref<1x800x64xf32, #tpu.memory_space<vmem>>
    %dma_wait3A_298 = tpu.memref_squeeze %dma_wait3A_297 : memref<1x800x64xf32, #tpu.memory_space<vmem>> -> memref<800x64xf32, #tpu.memory_space<vmem>>
    %dma_wait3A_299 = arith.constant 0 : i32
    %dma_wait3A_300 = tpu.memref_slice %arg4[%add3A_280, %dma_wait3A_299] : memref<204800x64xf32, #tpu.memory_space<hbm>> -> memref<800x64xf32, #tpu.memory_space<hbm>>
    %dma_wait3A_301 = arith.constant 0 : i32
    %dma_wait3A_302 = tpu.memref_slice %arg4[%add3A_280, %dma_wait3A_301] : memref<204800x64xf32, #tpu.memory_space<hbm>> -> memref<800x64xf32, #tpu.memory_space<hbm>>
    %dma_wait3A_303 = arith.constant 0 : i32
    %dma_wait3A_304 = arith.constant 0 : i32
    %dma_wait3A_305 = tpu.memref_slice %arg7[%dma_wait3A_294, %dma_wait3A_303, %dma_wait3A_304] : memref<2x800x64xf32, #tpu.memory_space<vmem>> -> memref<1x800x64xf32, #tpu.memory_space<vmem>>
    %dma_wait3A_306 = tpu.memref_squeeze %dma_wait3A_305 : memref<1x800x64xf32, #tpu.memory_space<vmem>> -> memref<800x64xf32, #tpu.memory_space<vmem>>
    tpu.wait_dma2 semaphore(%arg9 : memref<!tpu.dma_semaphore, #tpu.memory_space<semaphore_mem>>) src(%dma_wait3A_306 : memref<800x64xf32, #tpu.memory_space<vmem>>) dst(%dma_wait3A_302 : memref<800x64xf32, #tpu.memory_space<hbm>>)
    %dma_start3A_307 = arith.constant 1 : i32
    %dma_start3A_308 = arith.constant 0 : i32
    %dma_start3A_309 = arith.constant 0 : i32
    %dma_start3A_310 = tpu.memref_slice %arg7[%dma_start3A_307, %dma_start3A_308, %dma_start3A_309] : memref<2x800x64xf32, #tpu.memory_space<vmem>> -> memref<1x800x64xf32, #tpu.memory_space<vmem>>
    %dma_start3A_311 = tpu.memref_squeeze %dma_start3A_310 : memref<1x800x64xf32, #tpu.memory_space<vmem>> -> memref<800x64xf32, #tpu.memory_space<vmem>>
    %dma_start3A_312 = arith.constant 5600 : i32
    %dma_start3A_313 = tpu.memref_slice %arg6[%dma_start3A_312] : memref<6400xi32, #tpu.memory_space<vmem>> -> memref<800xi32, #tpu.memory_space<vmem>>
    %dma_start3A_314 = arith.constant 0 : i32
    %dma_start3A_315 = arith.constant 0 : i32
    %dma_start3A_316 = tpu.memref_slice %arg3[%dma_start3A_314, %dma_start3A_315] : memref<1000000x64xf32, #tpu.memory_space<hbm>> -> memref<1000000x64xf32, #tpu.memory_space<hbm>>
    tpu.enqueue_indirect_dma source(%dma_start3A_316 : memref<1000000x64xf32, #tpu.memory_space<hbm>>) target(%dma_start3A_311 : memref<800x64xf32, #tpu.memory_space<vmem>>) offsets(%dma_start3A_313 : memref<800xi32, #tpu.memory_space<vmem>>) semaphore(%arg8 : memref<!tpu.dma_semaphore, #tpu.memory_space<semaphore_mem>>)
    %dma_wait3A_317 = arith.constant 0 : i32
    %dma_wait3A_318 = arith.constant 0 : i32
    %dma_wait3A_319 = arith.constant 0 : i32
    %dma_wait3A_320 = tpu.memref_slice %arg7[%dma_wait3A_317, %dma_wait3A_318, %dma_wait3A_319] : memref<2x800x64xf32, #tpu.memory_space<vmem>> -> memref<1x800x64xf32, #tpu.memory_space<vmem>>
    %dma_wait3A_321 = tpu.memref_squeeze %dma_wait3A_320 : memref<1x800x64xf32, #tpu.memory_space<vmem>> -> memref<800x64xf32, #tpu.memory_space<vmem>>
    %dma_wait3A_322 = arith.constant 4800 : i32
    %dma_wait3A_323 = tpu.memref_slice %arg6[%dma_wait3A_322] : memref<6400xi32, #tpu.memory_space<vmem>> -> memref<800xi32, #tpu.memory_space<vmem>>
    %dma_wait3A_324 = arith.constant 0 : i32
    %dma_wait3A_325 = arith.constant 0 : i32
    %dma_wait3A_326 = tpu.memref_slice %arg3[%dma_wait3A_324, %dma_wait3A_325] : memref<1000000x64xf32, #tpu.memory_space<hbm>> -> memref<1000000x64xf32, #tpu.memory_space<hbm>>
    tpu.wait_indirect_dma semaphore(%arg8 : memref<!tpu.dma_semaphore, #tpu.memory_space<semaphore_mem>>) src(%dma_wait3A_326 : memref<1000000x64xf32, #tpu.memory_space<hbm>>) dst(%dma_wait3A_321 : memref<800x64xf32, #tpu.memory_space<vmem>>)
    %add3A_327 = arith.constant 4800 : i32
    %add3A_328 = arith.addi %mul3A_2, %add3A_327 : i32
    %dma_start3A_329 = arith.constant 0 : i32
    %dma_start3A_330 = arith.constant 0 : i32
    %dma_start3A_331 = arith.constant 0 : i32
    %dma_start3A_332 = tpu.memref_slice %arg7[%dma_start3A_329, %dma_start3A_330, %dma_start3A_331] : memref<2x800x64xf32, #tpu.memory_space<vmem>> -> memref<1x800x64xf32, #tpu.memory_space<vmem>>
    %dma_start3A_333 = tpu.memref_squeeze %dma_start3A_332 : memref<1x800x64xf32, #tpu.memory_space<vmem>> -> memref<800x64xf32, #tpu.memory_space<vmem>>
    %dma_start3A_334 = arith.constant 0 : i32
    %dma_start3A_335 = tpu.memref_slice %arg4[%add3A_328, %dma_start3A_334] : memref<204800x64xf32, #tpu.memory_space<hbm>> -> memref<800x64xf32, #tpu.memory_space<hbm>>
    %dma_start3A_336 = arith.constant 0 : i32
    %dma_start3A_337 = tpu.memref_slice %arg4[%add3A_328, %dma_start3A_336] : memref<204800x64xf32, #tpu.memory_space<hbm>> -> memref<800x64xf32, #tpu.memory_space<hbm>>
    %dma_start3A_338 = arith.constant 0 : i32
    %dma_start3A_339 = arith.constant 0 : i32
    %dma_start3A_340 = tpu.memref_slice %arg7[%dma_start3A_329, %dma_start3A_338, %dma_start3A_339] : memref<2x800x64xf32, #tpu.memory_space<vmem>> -> memref<1x800x64xf32, #tpu.memory_space<vmem>>
    %dma_start3A_341 = tpu.memref_squeeze %dma_start3A_340 : memref<1x800x64xf32, #tpu.memory_space<vmem>> -> memref<800x64xf32, #tpu.memory_space<vmem>>
    tpu.enqueue_dma source(%dma_start3A_341 : memref<800x64xf32, #tpu.memory_space<vmem>>) target(%dma_start3A_337 : memref<800x64xf32, #tpu.memory_space<hbm>>) target_semaphore(%arg9 : memref<!tpu.dma_semaphore, #tpu.memory_space<semaphore_mem>>)
    %dma_wait3A_342 = arith.constant 1 : i32
    %dma_wait3A_343 = arith.constant 0 : i32
    %dma_wait3A_344 = arith.constant 0 : i32
    %dma_wait3A_345 = tpu.memref_slice %arg7[%dma_wait3A_342, %dma_wait3A_343, %dma_wait3A_344] : memref<2x800x64xf32, #tpu.memory_space<vmem>> -> memref<1x800x64xf32, #tpu.memory_space<vmem>>
    %dma_wait3A_346 = tpu.memref_squeeze %dma_wait3A_345 : memref<1x800x64xf32, #tpu.memory_space<vmem>> -> memref<800x64xf32, #tpu.memory_space<vmem>>
    %dma_wait3A_347 = arith.constant 5600 : i32
    %dma_wait3A_348 = tpu.memref_slice %arg6[%dma_wait3A_347] : memref<6400xi32, #tpu.memory_space<vmem>> -> memref<800xi32, #tpu.memory_space<vmem>>
    %dma_wait3A_349 = arith.constant 0 : i32
    %dma_wait3A_350 = arith.constant 0 : i32
    %dma_wait3A_351 = tpu.memref_slice %arg3[%dma_wait3A_349, %dma_wait3A_350] : memref<1000000x64xf32, #tpu.memory_space<hbm>> -> memref<1000000x64xf32, #tpu.memory_space<hbm>>
    tpu.wait_indirect_dma semaphore(%arg8 : memref<!tpu.dma_semaphore, #tpu.memory_space<semaphore_mem>>) src(%dma_wait3A_351 : memref<1000000x64xf32, #tpu.memory_space<hbm>>) dst(%dma_wait3A_346 : memref<800x64xf32, #tpu.memory_space<vmem>>)
    %dma_wait3A_352 = arith.constant 0 : i32
    %dma_wait3A_353 = arith.constant 0 : i32
    %dma_wait3A_354 = arith.constant 0 : i32
    %dma_wait3A_355 = tpu.memref_slice %arg7[%dma_wait3A_352, %dma_wait3A_353, %dma_wait3A_354] : memref<2x800x64xf32, #tpu.memory_space<vmem>> -> memref<1x800x64xf32, #tpu.memory_space<vmem>>
    %dma_wait3A_356 = tpu.memref_squeeze %dma_wait3A_355 : memref<1x800x64xf32, #tpu.memory_space<vmem>> -> memref<800x64xf32, #tpu.memory_space<vmem>>
    %dma_wait3A_357 = arith.constant 0 : i32
    %dma_wait3A_358 = tpu.memref_slice %arg4[%add3A_328, %dma_wait3A_357] : memref<204800x64xf32, #tpu.memory_space<hbm>> -> memref<800x64xf32, #tpu.memory_space<hbm>>
    %dma_wait3A_359 = arith.constant 0 : i32
    %dma_wait3A_360 = tpu.memref_slice %arg4[%add3A_328, %dma_wait3A_359] : memref<204800x64xf32, #tpu.memory_space<hbm>> -> memref<800x64xf32, #tpu.memory_space<hbm>>
    %dma_wait3A_361 = arith.constant 0 : i32
    %dma_wait3A_362 = arith.constant 0 : i32
    %dma_wait3A_363 = tpu.memref_slice %arg7[%dma_wait3A_352, %dma_wait3A_361, %dma_wait3A_362] : memref<2x800x64xf32, #tpu.memory_space<vmem>> -> memref<1x800x64xf32, #tpu.memory_space<vmem>>
    %dma_wait3A_364 = tpu.memref_squeeze %dma_wait3A_363 : memref<1x800x64xf32, #tpu.memory_space<vmem>> -> memref<800x64xf32, #tpu.memory_space<vmem>>
    tpu.wait_dma2 semaphore(%arg9 : memref<!tpu.dma_semaphore, #tpu.memory_space<semaphore_mem>>) src(%dma_wait3A_364 : memref<800x64xf32, #tpu.memory_space<vmem>>) dst(%dma_wait3A_360 : memref<800x64xf32, #tpu.memory_space<hbm>>)
    %add3A_365 = arith.constant 5600 : i32
    %add3A_366 = arith.addi %mul3A_2, %add3A_365 : i32
    %run_scoped3A = arith.constant 1 : i32
    "tpu.region"() ({
      %run_scoped3A_367 = tpu.sem_alloc : memref<!tpu.dma_semaphore, #tpu.memory_space<semaphore_mem>>
      %dma_start3A_368 = arith.constant 0 : i32
      %dma_start3A_369 = arith.constant 0 : i32
      %dma_start3A_370 = tpu.memref_slice %arg7[%run_scoped3A, %dma_start3A_368, %dma_start3A_369] : memref<2x800x64xf32, #tpu.memory_space<vmem>> -> memref<1x800x64xf32, #tpu.memory_space<vmem>>
      %dma_start3A_371 = tpu.memref_squeeze %dma_start3A_370 : memref<1x800x64xf32, #tpu.memory_space<vmem>> -> memref<800x64xf32, #tpu.memory_space<vmem>>
      %dma_start3A_372 = arith.constant 0 : i32
      %dma_start3A_373 = tpu.memref_slice %arg4[%add3A_366, %dma_start3A_372] : memref<204800x64xf32, #tpu.memory_space<hbm>> -> memref<800x64xf32, #tpu.memory_space<hbm>>
      %dma_start3A_374 = arith.constant 0 : i32
      %dma_start3A_375 = tpu.memref_slice %arg4[%add3A_366, %dma_start3A_374] : memref<204800x64xf32, #tpu.memory_space<hbm>> -> memref<800x64xf32, #tpu.memory_space<hbm>>
      %dma_start3A_376 = arith.constant 0 : i32
      %dma_start3A_377 = arith.constant 0 : i32
      %dma_start3A_378 = tpu.memref_slice %arg7[%run_scoped3A, %dma_start3A_376, %dma_start3A_377] : memref<2x800x64xf32, #tpu.memory_space<vmem>> -> memref<1x800x64xf32, #tpu.memory_space<vmem>>
      %dma_start3A_379 = tpu.memref_squeeze %dma_start3A_378 : memref<1x800x64xf32, #tpu.memory_space<vmem>> -> memref<800x64xf32, #tpu.memory_space<vmem>>
      tpu.enqueue_dma source(%dma_start3A_379 : memref<800x64xf32, #tpu.memory_space<vmem>>) target(%dma_start3A_375 : memref<800x64xf32, #tpu.memory_space<hbm>>) target_semaphore(%run_scoped3A_367 : memref<!tpu.dma_semaphore, #tpu.memory_space<semaphore_mem>>)
      %dma_wait3A_380 = arith.constant 0 : i32
      %dma_wait3A_381 = arith.constant 0 : i32
      %dma_wait3A_382 = tpu.memref_slice %arg7[%run_scoped3A, %dma_wait3A_380, %dma_wait3A_381] : memref<2x800x64xf32, #tpu.memory_space<vmem>> -> memref<1x800x64xf32, #tpu.memory_space<vmem>>
      %dma_wait3A_383 = tpu.memref_squeeze %dma_wait3A_382 : memref<1x800x64xf32, #tpu.memory_space<vmem>> -> memref<800x64xf32, #tpu.memory_space<vmem>>
      %dma_wait3A_384 = arith.constant 0 : i32
      %dma_wait3A_385 = tpu.memref_slice %arg4[%add3A_366, %dma_wait3A_384] : memref<204800x64xf32, #tpu.memory_space<hbm>> -> memref<800x64xf32, #tpu.memory_space<hbm>>
      %dma_wait3A_386 = arith.constant 0 : i32
      %dma_wait3A_387 = tpu.memref_slice %arg4[%add3A_366, %dma_wait3A_386] : memref<204800x64xf32, #tpu.memory_space<hbm>> -> memref<800x64xf32, #tpu.memory_space<hbm>>
      %dma_wait3A_388 = arith.constant 0 : i32
      %dma_wait3A_389 = arith.constant 0 : i32
      %dma_wait3A_390 = tpu.memref_slice %arg7[%run_scoped3A, %dma_wait3A_388, %dma_wait3A_389] : memref<2x800x64xf32, #tpu.memory_space<vmem>> -> memref<1x800x64xf32, #tpu.memory_space<vmem>>
      %dma_wait3A_391 = tpu.memref_squeeze %dma_wait3A_390 : memref<1x800x64xf32, #tpu.memory_space<vmem>> -> memref<800x64xf32, #tpu.memory_space<vmem>>
      tpu.wait_dma2 semaphore(%run_scoped3A_367 : memref<!tpu.dma_semaphore, #tpu.memory_space<semaphore_mem>>) src(%dma_wait3A_391 : memref<800x64xf32, #tpu.memory_space<vmem>>) dst(%dma_wait3A_387 : memref<800x64xf32, #tpu.memory_space<hbm>>)
      tpu.yield
    }) : () -> ()
    return
  }
}

</mosaic_0001>

<sc_bundles>
// kernel: kernel.3.cloned.1.call-start
scs
__scs_entry_jumppad:
0x0: {  	(pc) =	sbr.rel $0x88, $3  }
0x1: {  	(tag) =	ssettag $0x0;
	lr =	simm.s32 $0x1  }
0x2: {  	[smem:$0x3F9F] =	sst lr;
	_ =	strace $0xD0000000  }
0x3: {  	_ = 	snop  }
0x4: {  	_ = 	snop  }
0x5: {  	_ = 	snop  }
0x6: {  	_ = 	snop  }
0x7: {  	_ = 	snop  }
__scs_overlays_trampoline_lowered:
0x8: {  	[smem:$0x3FAE] =	sst s0  }
0x9: {  	[smem:$0x3FAF] =	sst s1  }
0xa: {  	[smem:$0x3FB0] =	sst s2  }
0xb: {  	[smem:$0x3FB1] =	sst s3  }
0xc: {  	[smem:$0x3FB2] =	sst s4  }
0xd: {  	[smem:$0x3FB3] =	sst s5  }
0xe: {  	[smem:$0x3FB4] =	sst s6  }
0xf: {  	[smem:$0x3FB5] =	sst s7  }
0x10: {  	[smem:$0x3FB6] =	sst s8  }
0x11: {  	[smem:$0x3FB7] =	sst s9;
	s0 =	simm.s32 @!p0 $0x0  }
0x12: {  	s1 =	sld [smem:$0x3F9D];
	s0 =	simm.s32 @p0 $0x1  }
0x13: {  	[smem:$0x3FB8] =	sst s0;
	s0 =	simm.s32 @!p1 $0x0  }
0x14: {  	s2 =	sld [smem:$0x3F9C];
	s0 =	simm.s32 @p1 $0x1  }
0x15: {  	[smem:$0x3FB9] =	sst s0;
	s0 =	simm.s32 @!p2 $0x0  }
0x16: {  	s3 =	sld [smem:$0x3FDB];
	s0 =	simm.s32 @p2 $0x1  }
0x17: {  	s4 =	simm.s32 $0x1BF5;
	[smem:$0x3FBB] =	sst s0  }
0x18: {  	s0 =	sld [smem:$0x3F9E];
	_ =	swait.ge [sflag:s4], $0x0  }
0x19: {  	s7 =	sld [smem:$0x3F9F]  }
0x1a: {  	s8 =	sadd.s32 $0xFFFFE003, lr  }
0x1b: {  	s9 =	sadd.s32 $0xFFFFFEF7, lr;
	s5 =	simm.s32 $0xFFFFFFFF;
	p2 =	slt.u32 s8, $0xFFFFF086  }
0x1c: {  	p1 =	slt.u32 s9, $0xF7A;
	s5 =	simm.s32 @!p2 $0x0  }
0x1d: {  	s5 =	simm.s32 @p1 $0x1;
	p0 =	seq.s32 s7, s2  }
0x1e: {  	s7 =	smul.u32 @!p0 $0xF7A, s2;
	p2 =	seq.s32 @!p0 s5, $0x0  }
0x1f: {  	s9 =	smul.u32 $0xF7A, s1;
	s8 =	simm.s32 @!p0 $0x1BF5;
	p2 =	por !p2, p0  }
0x20: {  	[sflag:s8] =	ssyncset.s32 @!p0 $0xFFFFF086;
	s6 =	sadd.s32 @!p0 s3, s7;
	s7 =	simm.s32 @!p0 $0x108  }
0x21: {  	s3 =	sadd.s32 s3, s9;
	s6 =	sadd.s32 @!p0 $0x88, s6;
	s7 =	simm.s32 @p2 $0x1082  }
0x22: {  	[simem:s7], [sflag:s8] =	dma.local @!p0 [hbm:s6], $0xF7A  }
0x23: {  	s9 =	sor.u32 $0xD0000000, s2;
	s6 =	simm.s32 $0x108;
	_ =	swait.ge @!p0 [sflag:s8], $0x0  }
0x24: {  	s3 =	sadd.s32 $0x88, s3;
	s6 =	simm.s32 @!p1 $0x1082;
	[sflag:s4] =	ssyncset.s32 $0xFFFFF086  }
0x25: {  	[simem:s6], [sflag:s4] =	dma.local [hbm:s3], $0xF7A  }
0x26: {  	[smem:$0x3F9F] =	sst s1;
	(tag) =	ssettag s2;
	_ =	strace s9  }
0x27: {  	s1 =	sld [smem:$0x3FAF]  }
0x28: {  	s2 =	sld [smem:$0x3FB0]  }
0x29: {  	s4 =	sld [smem:$0x3FB2]  }
0x2a: {  	p0 =	seq.s32 s5, $0x0;
	s5 =	sld [smem:$0x3FB3]  }
0x2b: {  	s6 =	sld [smem:$0x3FB4]  }
0x2c: {  	s7 =	sld [smem:$0x3FB5]  }
0x2d: {  	s3 =	simm.s32 $0x108;
	s8 =	sld [smem:$0x3FB6]  }
0x2e: {  	s3 =	simm.s32 @!p0 $0x1082;
	s9 =	sld [smem:$0x3FB7]  }
0x2f: {  	lr =	sadd.s32 s0, s3;
	s0 =	sld [smem:$0x3FAE]  }
0x30: {  	s3 =	sld [smem:$0x3FB1]  }
0x31: {  	[smem:$0x3FBA] =	sst s10  }
0x32: {  	s10 =	sld [smem:$0x3FB8];
	_ =	sdelay $0x3  }
0x33: {  	p0 =	seq.s32 s10, $0x1;
	s10 =	sld [smem:$0x3FBA];
	_ =	sdelay $0x3  }
0x34: {  	[smem:$0x3FBA] =	sst s10  }
0x35: {  	s10 =	sld [smem:$0x3FB9];
	_ =	sdelay $0x3  }
0x36: {  	p1 =	seq.s32 s10, $0x1;
	s10 =	sld [smem:$0x3FBA];
	_ =	sdelay $0x3  }
0x37: {  	[smem:$0x3FBA] =	sst s10  }
0x38: {  	s10 =	sld [smem:$0x3FBB]  }
0x39: {  	_ = 	snop;
	(pc) =	sbr.ind lr, $3  }
0x3a: {  	_ = 	snop  }
0x3b: {  	_ = 	snop  }
0x3c: {  	p2 =	seq.s32 s10, $0x1;
	s10 =	sld [smem:$0x3FBA]  }
0x3d: {  	_ =	shalt  }
0x3e: {  	_ =	shalt  }
0x3f: {  	_ =	shalt  }
0x40: {  	_ =	shalt  }
0x41: {  	_ =	shalt  }
0x42: {  	_ =	shalt  }
0x43: {  	_ =	shalt  }
0x44: {  	_ =	shalt  }
0x45: {  	_ =	shalt  }
0x46: {  	_ =	shalt  }
0x47: {  	_ =	shalt  }
0x48: {  	_ =	shalt  }
0x49: {  	_ =	shalt  }
0x4a: {  	_ =	shalt  }
0x4b: {  	_ =	shalt  }
0x4c: {  	_ =	shalt  }
0x4d: {  	_ =	shalt  }
0x4e: {  	_ =	shalt  }
0x4f: {  	_ =	shalt  }
0x50: {  	_ =	shalt  }
0x51: {  	_ =	shalt  }
0x52: {  	_ =	shalt  }
0x53: {  	_ =	shalt  }
0x54: {  	_ =	shalt  }
0x55: {  	_ =	shalt  }
0x56: {  	_ =	shalt  }
0x57: {  	_ =	shalt  }
0x58: {  	_ =	shalt  }
0x59: {  	_ =	shalt  }
0x5a: {  	_ =	shalt  }
0x5b: {  	_ =	shalt  }
0x5c: {  	_ =	shalt  }
0x5d: {  	_ =	shalt  }
0x5e: {  	_ =	shalt  }
0x5f: {  	_ =	shalt  }
0x60: {  	_ =	shalt  }
0x61: {  	_ =	shalt  }
0x62: {  	_ =	shalt  }
0x63: {  	_ =	shalt  }
0x64: {  	_ =	shalt  }
0x65: {  	_ =	shalt  }
0x66: {  	_ =	shalt  }
0x67: {  	_ =	shalt  }
0x68: {  	_ =	shalt  }
0x69: {  	_ =	shalt  }
0x6a: {  	_ =	shalt  }
0x6b: {  	_ =	shalt  }
0x6c: {  	_ =	shalt  }
0x6d: {  	_ =	shalt  }
0x6e: {  	_ =	shalt  }
0x6f: {  	_ =	shalt  }
0x70: {  	_ =	shalt  }
0x71: {  	_ =	shalt  }
0x72: {  	_ =	shalt  }
0x73: {  	_ =	shalt  }
0x74: {  	_ =	shalt  }
0x75: {  	_ =	shalt  }
0x76: {  	_ =	shalt  }
0x77: {  	_ =	shalt  }
0x78: {  	_ =	shalt  }
0x79: {  	_ =	shalt  }
0x7a: {  	_ =	shalt  }
0x7b: {  	_ =	shalt  }
0x7c: {  	_ =	shalt  }
0x7d: {  	_ =	shalt  }
0x7e: {  	_ =	shalt  }
0x7f: {  	_ =	shalt  }
0x80: {  	_ =	shalt  }
0x81: {  	_ =	shalt  }
0x82: {  	_ =	shalt  }
0x83: {  	_ =	shalt  }
0x84: {  	_ =	shalt  }
0x85: {  	_ =	shalt  }
0x86: {  	_ =	shalt  }
0x87: {  	_ =	shalt  }
.Lfunc_end0:
.L_simem_size_0:
called_computation.1_lowered:
.L_overlay_start_0:
0x88: {  	s2 =	sld [smem:$0x3FD9]  }
0x89: {  	s3 =	sld [smem:$0x3FFE];
	_ =	sdelay $0x1  }
0x8a: {  	s1 =	srdreg.scid  }
0x8b: {  	s0 =	sand.u32 $0x1, s1  }
0x8c: {  	s17 =	sshll.u32 s0, $0xA;
	s2 =	sadd.s32 s3, s2  }
0x8d: {  	s2 =	sadd.s32 s2, s17  }
0x8e: {  	[smem:$0x3FC6] =	sst s2  }
0x8f: {  	_ = 	snop  }
0x90: {  	s2 =	sld [smem:$0x3FD0];
	(tm) =	ssettm $0x1  }
0x91: {  	s18 =	sld [smem:$0x3FFB];
	_ =	sdelay $0x3  }
0x92: {  	_ =	strace s18  }
0x93: {  	s3 =	sld [smem:$0x3FFC];
	_ =	sdelay $0x3  }
0x94: {  	_ =	strace s3  }
0x95: {  	s3 =	sld [smem:$0x3FFD];
	_ =	sdelay $0x3  }
0x96: {  	_ =	strace s3  }
0x97: {  	_ =	strace $0x8FFFFFFF  }
0x98: {  	s19 =	sld [smem:$0x3FDB];
	_ =	sdelay $0x1  }
0x99: {  	s4 =	simm.s32 $_scs_section_size  }
0x9a: {  	s5 =	simm.s32 $_size__tile_overlayer_lowered;
	s6 =	simm.s32 $_tile_overlayer_lowered  }
0x9b: {  	s22 =	simm.s32 $0x1BFF;
	s21 =	sshll.u32 s6, $0x1;
	s3 =	sadd.s32 s4, s19  }
0x9c: {  	s7 =	simm.s32 $0x0;
	s20 =	sshll.u32 s5, $0x1;
	s5 =	sadd.s32 s21, s3  }
0x9d: {  	[timem:s7], [sflag:s22] =	dma.local [hbm:s5], s20  }
0x9e: {  	_ =	swait.ge [sflag:s22], s20  }
0x9f: {  	s4 =	ssub.s32 $0x0, s20;
	[sflag:s22] =	ssyncset.done $0x0  }
0xa0: {  	[sflag:s22] =	ssyncadd.s32 s4;
	_ =	sdelay $0x1  }
0xa1: {  	s23 =	simm.s32 $0x1B8B  }
0xa2: {  	_ =	swait.ge [sflag:s23], $0x1  }
0xa3: {  	[sflag:s23] =	ssyncset.done $0x0  }
0xa4: {  	s25 =	simm.s32 $0x1B8E;
	s24 =	sld [smem:$0x3FFE];
	[sflag:s23] =	ssyncadd.s32 $0xFFFFFFFF  }
0xa5: {  	s26 =	simm.s32 $execute0_lowered;
	[smem:$0x3FD2] =	sst s25  }
0xa6: {  	s5 =	sshll.u32 s26, $0x1;
	_ =	strace $0x80000046;
	[dreg:$0x1] =	wrdreg $0xFFFFFFFF  }
0xa7: {  	s28 =	simm.s32 $_size_execute0_lowered;
	s3 =	sadd.s32 s3, s5;
	[dreg:$0x0] =	wrdreg $0x0  }
0xa8: {  	s5 =	sshll.u32 s28, $0x1;
	[dreg:$0x2] =	wrdreg s3  }
0xa9: {  	[dreg:$0x3] =	wrdreg s5  }
0xaa: {  	[dreg:$0x4] =	wrdreg $0xC0  }
0xab: {  	_ =	task [dreg:s7], $0x5FFFF  }
0xac: {  	[dreg:$0x1] =	wrdreg $0xFFFFFFFF  }
0xad: {  	[dreg:$0x0] =	wrdreg $0x60  }
0xae: {  	[dreg:$0x2] =	wrdreg s24  }
0xaf: {  	[dreg:$0x3] =	wrdreg s2  }
0xb0: {  	[dreg:$0x4] =	wrdreg $0x9  }
0xb1: {  	_ =	task.clear_ibuf [dreg:s7], $0x5FFFF;
	_ =	strace $0x90000046  }
0xb2: {  	s29 =	simm.s32 $0x9;
	_ =	strace $0x80000048  }
0xb3: {  	_ =	swait.ge [sflag:s29], $0x1  }
0xb4: {  	[sflag:s29] =	ssyncadd.s32 $0xFFFFFFFF  }
0xb5: {  	_ =	strace $0x90000048  }
0xb6: {  	_ =	sfence  }
0xb7: {  	s30 =	sld [smem:$0x0];
	_ =	sdelay $0x2  }
0xb8: {  	s31 =	sshll.u32 s1, $0xD;
	s1 =	sshrl.u32 s1, $0x2  }
0xb9: {  	s3 =	sand.u32 $0x4000, s31;
	s1 =	sadd.s32 s1, s30  }
0xba: {  	s0 =	sor.u32 s3, s0;
	s1 =	sshll.u32 s1, $0x11  }
0xbb: {  	s0 =	sor.u32 s1, s0  }
0xbc: {  	s0 =	sadd.s32 $0x8F2B, s0  }
0xbd: {  	[sflag:s0] =	ssyncadd.remote.s32 $0x1  }
0xbe: {  	_ =	sfence.sel $0xFFFF  }
0xbf: {  	[dreg:$0x0] =	wrdreg $0xFFFFFFFF;
	(pc) =	sbr.abs _section_cstart, $3  }
0xc0: {  	[dreg:$0x1] =	wrdreg $0xFFFFFFFF  }
0xc1: {  	_ =	task.clear_ibuf [dreg:s7], $0x2FFFF;
	_ =	strace $0x9FFFFFFF  }
0xc2: {  	(tm) =	ssettm $0x7FFFFFFF  }
0xc3: {  	_ =	shalt  }
tec
execute0_lowered:
.L_overlay_start_1:
0x0: {  	(tag) =	ssettag $0x1  }
0x1: {  	s0 =	rddreg [dreg:$0x0]  }
0x2: {  	s1 =	rddreg [dreg:$0x1]  }
0x3: {  	s3 =	srdreg.scid;
	s5 =	stileid.u32  }
0x4: {  	s2 =	simm.s32 $0x0;
	s14 =	simm.s32 $0x3;
	s15 =	simm.s32 $0x320  }
0x5: {  	s17 =	simm.s32 $0x3390;
	s19 =	simm.s32 $0xFB90;
	s20 =	simm.s32 $0x1  }
0x6: {  	s21 =	simm.s32 $0x2;
	s22 =	simm.s32 $0x20D0;
	s23 =	simm.s32 $0x23F0  }
0x7: {  	s24 =	simm.s32 $0x2710;
	s25 =	simm.s32 $0x2A30;
	s26 =	simm.s32 $0x2D50  }
0x8: {  	s28 =	simm.s32 $0x3070;
	s4 =	sand.u32 $0x1, s3;
	s30 =	sshll.u32 s5, $0x1  }
0x9: {  	s29 =	simm.s32 $0x0;
	[smem:$0x7FF] =	sst s2;
	s5 =	sor.u32 s4, s30  }
0xa: {  	_ =	strace $0x80000047;
	s31 =	ssub.s32 $0x2, s4;
	s6 =	smul.u32 $0x64000, s5  }
0xb: {  	s3 =	sshll.u32 s5, $0x4;
	s4 =	sshrl.u32 s31, $0x1;
	s5 =	smul.u32 $0xC800, s5  }
0xc: {  	s7 =	sadd.s32 s3, s0;
	s3 =	sadd.s32 $0xF42E00, s0;
	s6 =	sshrl.u32 s6, $0x3  }
0xd: {  	s0 =	ssub.s32 s31, s4;
	s4 =	sadd.s32 $0xA00, s7;
	s12 =	sadd.s32 s1, s6  }
0xe: {  	s5 =	sadd.s32 s1, s5;
	s13 =	smax.u32 s0, $0x1;
	s6 =	sadd.s32 $0x1900, s12  }
0xf: {  	s7 =	sadd.s32 $0x3200, s12;
	s8 =	sadd.s32 $0x4B00, s12;
	s9 =	sadd.s32 $0x6400, s12  }
0x10: {  	v0 =	vimm.s32 $0x0;
	s10 =	sadd.s32 $0x7D00, s12;
	s11 =	sadd.s32 $0x9600, s12;
	s12 =	sadd.s32 $0xAF00, s12  }
.LBB2_1:
0x11: {  	s30 =	simm.s32 $0x220  }
0x12: {  	s1 =	simm.s32 $0x0;
	s31 =	sadd.s32 $0x200, s4;
	s0 =	smov.u32 s4  }
.LBB2_2:
0x13: {  	[tilespmem:s1], [sflag:$0x3] =	stream.linear.gather [hbm4b:s0+s2], $0x80, $0x38;
	[tilespmem:$0x1C390] =	vst v63  }
0x14: {  	s1 =	smov.u32 s30;
	s0 =	smov.u32 s31;
	p0 =	sne.s32 s30, $0x6820  }
.Ltmp0:
0x15: {  	s30 =	sadd.s32 $0x220, s30;
	(pc) =	sbr.rel @p0 .LBB2_2-.Ltmp0, $2  }
0x16: {  	_ =	sdelay $0x2  }
0x17: {  	s31 =	sadd.s32 $0x200, s31;
	s1 =	sshra.s32 s1, $0x2  }
0x18: {  	v1 =	vlaneseq.u32  }
0x19: {  	v2 =	vimm.s32 $0x0;
	v3 =	vmul.u32 $0x88, v1  }
0x1a: {  	v4 =	vand.u32 $0xFFFFFFF8, v2  }
0x1b: {  	v5 =	vand.u32 $0x7, v2;
	v3 =	vadd.s32 v3, v4  }
0x1c: {  	v6 =	vadd.s32 $0x10, v1;
	v4 =	vor.u32 v5, v3  }
0x1d: {  	[tilespmem:s1], [sflag:$0x3] =	stream.linear.gather [hbm4b:s0+s2], $0x80, $0x38;
	v1 =	vadd.s32 $0xFFFFFFDE, v1;
	vm0 =	vgt.s32 v6, $0x31;
	[tilespmem:$0x1C390] =	vst v63  }
0x1e: {  	_ =	swait.ge [sflag:s14], $0x1900;
	v3 =	vsel vm0, v1, v6;
	v1 =	vsel vm0, $0x1, v0  }
0x1f: {  	[sflag:s14] =	ssyncset.done $0x0;
	v5 =	vmul.u32 $0x88, v3;
	v1 =	vadd.s32 v1, v2  }
0x20: {  	[sflag:s14] =	ssyncadd.s32 $0xFFFFE700;
	v2 =	vand.u32 $0xFFFFFFF8, v1  }
0x21: {  	v6 =	vand.u32 $0x7, v1;
	v2 =	vadd.s32 v5, v2;
	v4 =	vld.idx.msk [tilespmem:v4+s2+$0x0], $0xffff  }
0x22: {  	v7 =	vadd.s32 $0xFFFFFFDE, v3;
	v5 =	vadd.s32 $0x10, v3;
	v3 =	vor.u32 v6, v2;
	_ =	sdelay $0x1  }
0x23: {  	s0 =	simm.s32 $0x40;
	s30 =	simm.s32 $0x80;
	vm15 =	vgt.s32 v5, $0x31  }
0x24: {  	s31 =	simm.s32 $0xC0;
	s1 =	simm.s32 $0x100;
	s16 =	simm.s32 $0x0;
	v2 =	vsel vm15, v7, v5;
	v5 =	vsel vm15, $0x1, v0  }
.LBB2_4:
0x25: {  	p0 =	sne.s32 s1, $0x63C0;
	v6 =	vmul.u32 $0x88, v2;
	v1 =	vadd.s32 v5, v1;
	[tilespmem:s16+$0x1A90] =	vst v4;
	s18 =	smov.u32 s30;
	s30 =	smov.u32 s31  }
0x26: {  	s31 =	smov.u32 s1;
	v5 =	vand.u32 $0xFFFFFFF8, v1;
	v7 =	vand.u32 $0x7, v1;
	v4 =	vld.idx.msk [tilespmem:v3+s2+$0x0], $0xffff  }
.Ltmp1:
0x27: {  	v3 =	vadd.s32 v6, v5;
	(pc) =	sbr.rel @p0 .LBB2_4-.Ltmp1, $4  }
0x28: {  	v3 =	vor.u32 v7, v3  }
0x29: {  	v5 =	vadd.s32 $0x10, v2  }
0x2a: {  	v2 =	vadd.s32 $0xFFFFFFDE, v2;
	vm0 =	vgt.s32 v5, $0x31  }
0x2b: {  	s1 =	sadd.s32 $0x40, s1;
	s16 =	sshra.s32 s0, $0x2;
	s0 =	smov.u32 s18;
	v2 =	vsel vm0, v2, v5;
	v5 =	vsel vm0, $0x1, v0  }
0x2c: {  	_ =	sdelay $0x1  }
0x2d: {  	v6 =	vmul.u32 $0x88, v2;
	v1 =	vadd.s32 v5, v1  }
0x2e: {  	[tilespmem:s16+$0x1A90] =	vst v4;
	v61 =	vand.u32 $0xFFFFFFF8, v1  }
0x2f: {  	v5 =	vand.u32 $0x7, v1;
	v3 =	vld.idx.msk [tilespmem:v3+s2+$0x0], $0xffff;
	v4 =	vadd.s32 v6, v61  }
0x30: {  	v62 =	vadd.s32 $0x10, v2;
	v4 =	vor.u32 v5, v4  }
0x31: {  	v2 =	vadd.s32 $0xFFFFFFDE, v2;
	vm0 =	vgt.s32 v62, $0x31  }
0x32: {  	v2 =	vsel vm0, v2, v62;
	v63 =	vsel vm0, $0x1, v0  }
0x33: {  	s0 =	sshra.s32 s0, $0x2;
	v2 =	vmul.u32 $0x88, v2;
	v1 =	vadd.s32 v63, v1  }
0x34: {  	[tilespmem:s0+$0x1A90] =	vst v3;
	v3 =	vand.u32 $0xFFFFFFF8, v1  }
0x35: {  	v1 =	vand.u32 $0x7, v1;
	v2 =	vadd.s32 v2, v3;
	v4 =	vld.idx.msk [tilespmem:v4+s2+$0x0], $0xffff  }
0x36: {  	v1 =	vor.u32 v1, v2;
	_ =	sdelay $0x2  }
0x37: {  	s16 =	sshra.s32 s30, $0x2  }
0x38: {  	[tilespmem:s16+$0x1A90] =	vst v4  }
0x39: {  	v1 =	vld.idx.msk [tilespmem:v1+s2+$0x0], $0xffff;
	_ =	sdelay $0x3  }
0x3a: {  	s18 =	sshra.s32 s31, $0x2  }
0x3b: {  	s30 =	simm.s32 $0x1A90;
	[tilespmem:s18+$0x1A90] =	vst v1  }
0x3c: {  	[tilespmem:s17], [sflag:$0x1] =	stream.indirect.gather [hbm4b:s3+s15], $0x40, s30, s15, $0xb8;
	[tilespmem:$0x1C390] =	vst v63  }
0x3d: {  	s31 =	simm.s32 $0x1DB0  }
0x3e: {  	[tilespmem:s19], [sflag:$0x1] =	stream.indirect.gather [hbm4b:s3+s15], $0x40, s31, s15, $0xb8;
	[tilespmem:$0x1C390] =	vst v63  }
0x3f: {  	_ =	swait.ge [sflag:s20], $0xC800  }
0x40: {  	[sflag:s20] =	ssyncset.done $0x0  }
0x41: {  	[sflag:s20] =	ssyncadd.s32 $0xFFFF3800  }
0x42: {  	[hbm4b:s5+s2] =	stream.linear.scatter [tilespmem:s17], [sflag:$0x2], $0xC800, $0x38;
	[tilespmem:$0x1C390] =	vst v63  }
0x43: {  	_ =	swait.ge [sflag:s21], $0xC800  }
0x44: {  	[sflag:s21] =	ssyncset.done $0x0  }
0x45: {  	[sflag:s21] =	ssyncadd.s32 $0xFFFF3800  }
0x46: {  	[tilespmem:s17], [sflag:$0x1] =	stream.indirect.gather [hbm4b:s3+s15], $0x40, s22, s15, $0xb8;
	[tilespmem:$0x1C390] =	vst v63  }
0x47: {  	_ =	swait.ge [sflag:s20], $0xC800  }
0x48: {  	[sflag:s20] =	ssyncset.done $0x0  }
0x49: {  	[sflag:s20] =	ssyncadd.s32 $0xFFFF3800  }
0x4a: {  	[hbm4b:s6+s2] =	stream.linear.scatter [tilespmem:s19], [sflag:$0x2], $0xC800, $0x38;
	[tilespmem:$0x1C390] =	vst v63  }
0x4b: {  	_ =	swait.ge [sflag:s21], $0xC800  }
0x4c: {  	[sflag:s21] =	ssyncset.done $0x0  }
0x4d: {  	[sflag:s21] =	ssyncadd.s32 $0xFFFF3800  }
0x4e: {  	[tilespmem:s19], [sflag:$0x1] =	stream.indirect.gather [hbm4b:s3+s15], $0x40, s23, s15, $0xb8;
	[tilespmem:$0x1C390] =	vst v63  }
0x4f: {  	_ =	swait.ge [sflag:s20], $0xC800  }
0x50: {  	[sflag:s20] =	ssyncset.done $0x0  }
0x51: {  	[sflag:s20] =	ssyncadd.s32 $0xFFFF3800  }
0x52: {  	[hbm4b:s7+s2] =	stream.linear.scatter [tilespmem:s17], [sflag:$0x2], $0xC800, $0x38;
	[tilespmem:$0x1C390] =	vst v63  }
0x53: {  	_ =	swait.ge [sflag:s21], $0xC800  }
0x54: {  	[sflag:s21] =	ssyncset.done $0x0  }
0x55: {  	[sflag:s21] =	ssyncadd.s32 $0xFFFF3800  }
0x56: {  	[tilespmem:s17], [sflag:$0x1] =	stream.indirect.gather [hbm4b:s3+s15], $0x40, s24, s15, $0xb8;
	[tilespmem:$0x1C390] =	vst v63  }
0x57: {  	_ =	swait.ge [sflag:s20], $0xC800  }
0x58: {  	[sflag:s20] =	ssyncset.done $0x0  }
0x59: {  	[sflag:s20] =	ssyncadd.s32 $0xFFFF3800  }
0x5a: {  	[hbm4b:s8+s2] =	stream.linear.scatter [tilespmem:s19], [sflag:$0x2], $0xC800, $0x38;
	[tilespmem:$0x1C390] =	vst v63  }
0x5b: {  	_ =	swait.ge [sflag:s21], $0xC800  }
0x5c: {  	[sflag:s21] =	ssyncset.done $0x0  }
0x5d: {  	[sflag:s21] =	ssyncadd.s32 $0xFFFF3800  }
0x5e: {  	[tilespmem:s19], [sflag:$0x1] =	stream.indirect.gather [hbm4b:s3+s15], $0x40, s25, s15, $0xb8;
	[tilespmem:$0x1C390] =	vst v63  }
0x5f: {  	_ =	swait.ge [sflag:s20], $0xC800  }
0x60: {  	[sflag:s20] =	ssyncset.done $0x0  }
0x61: {  	[sflag:s20] =	ssyncadd.s32 $0xFFFF3800  }
0x62: {  	[hbm4b:s9+s2] =	stream.linear.scatter [tilespmem:s17], [sflag:$0x2], $0xC800, $0x38;
	[tilespmem:$0x1C390] =	vst v63  }
0x63: {  	_ =	swait.ge [sflag:s21], $0xC800  }
0x64: {  	[sflag:s21] =	ssyncset.done $0x0  }
0x65: {  	[sflag:s21] =	ssyncadd.s32 $0xFFFF3800  }
0x66: {  	[tilespmem:s17], [sflag:$0x1] =	stream.indirect.gather [hbm4b:s3+s15], $0x40, s26, s15, $0xb8;
	[tilespmem:$0x1C390] =	vst v63  }
0x67: {  	_ =	swait.ge [sflag:s20], $0xC800  }
0x68: {  	[sflag:s20] =	ssyncset.done $0x0  }
0x69: {  	[sflag:s20] =	ssyncadd.s32 $0xFFFF3800  }
0x6a: {  	[hbm4b:s10+s2] =	stream.linear.scatter [tilespmem:s19], [sflag:$0x2], $0xC800, $0x38;
	[tilespmem:$0x1C390] =	vst v63  }
0x6b: {  	_ =	swait.ge [sflag:s21], $0xC800  }
0x6c: {  	[sflag:s21] =	ssyncset.done $0x0  }
0x6d: {  	[sflag:s21] =	ssyncadd.s32 $0xFFFF3800  }
0x6e: {  	[tilespmem:s19], [sflag:$0x1] =	stream.indirect.gather [hbm4b:s3+s15], $0x40, s28, s15, $0xb8;
	[tilespmem:$0x1C390] =	vst v63  }
0x6f: {  	_ =	swait.ge [sflag:s20], $0xC800  }
0x70: {  	[sflag:s20] =	ssyncset.done $0x0  }
0x71: {  	[sflag:s20] =	ssyncadd.s32 $0xFFFF3800  }
0x72: {  	[hbm4b:s11+s2] =	stream.linear.scatter [tilespmem:s17], [sflag:$0x2], $0xC800, $0x38;
	[tilespmem:$0x1C390] =	vst v63  }
0x73: {  	_ =	swait.ge [sflag:s20], $0xC800  }
0x74: {  	[sflag:s20] =	ssyncset.done $0x0  }
0x75: {  	[sflag:s20] =	ssyncadd.s32 $0xFFFF3800  }
0x76: {  	s29 =	sadd.s32 $0x1, s29;
	_ =	swait.ge [sflag:s21], $0xC800  }
0x77: {  	p0 =	sne.s32 s29, s13;
	[sflag:s21] =	ssyncset.done $0x0  }
.Ltmp2:
0x78: {  	[sflag:s21] =	ssyncadd.s32 $0xFFFF3800;
	(pc) =	sbr.rel @p0 .LBB2_1-.Ltmp2, $4  }
0x79: {  	[hbm4b:s12+s2] =	stream.linear.scatter [tilespmem:s19], [sflag:$0x3], $0xC800, $0x38;
	[tilespmem:$0x1C390] =	vst v63  }
0x7a: {  	_ =	swait.ge [sflag:s14], $0xC800  }
0x7b: {  	[sflag:s14] =	ssyncset.done $0x0  }
0x7c: {  	[sflag:s14] =	ssyncadd.s32 $0xFFFF3800  }
0x7d: {  	_ =	sfence.sel $0x180000  }
0x7e: {  	[bflag:$0x0] =	sbarrier.arrive $0xFFFF  }
0x7f: {  	_ =	strace $0x90000047  }
0x80: {  	s0 =	stileid.u32;
	[bflag:$0x2] =	sbarrier.arrive $0xFFFF  }
0x81: {  	p0 =	sne.s32 s0, $0x0;
	s0 =	rddreg [dreg:$0x2]  }
0x82: {  	s0 =	sadd.s32 @!p0 $0x100000, s0  }
0x83: {  	[sflag:s0] =	ssyncadd.tile.s32 @!p0 $0x1;
	_ =	shalt  }
.Lfunc_end2:
_tile_overlayer_lowered:
.L_overlay_start_2:
0x84: {  	(tag) =	ssettag $0x2  }
0x85: {  	s0 =	rddreg [dreg:$0x0];
	s2 =	stileid.u32  }
0x86: {  	s1 =	rddreg [dreg:$0x1];
	p0 =	sne.s32 s2, $0x0  }
0x87: {  	s3 =	rddreg [dreg:$0x2];
	[bflag:$0x3] =	sbarrier.arrive $0xFFFF;
	s2 =	simm.s32 @!p0 $0x1C03  }
0x88: {  	[timem:s3], [sflag:s2] =	dma.local @!p0 [hbm:s0], s1  }
0x89: {  	s0 =	simm.s32 @!p0 $0x3  }
0x8a: {  	_ =	swait.ge @!p0 [sflag:s0], s1  }
0x8b: {  	s1 =	ssub.s32 @!p0 $0x0, s1;
	[sflag:s0] =	ssyncset.done @!p0 $0x0  }
0x8c: {  	[sflag:s0] =	ssyncadd.s32 @!p0 s1  }
0x8d: {  	[bflag:$0x3] =	sbarrier.arrive $0xFFFF  }
0x8e: {  	_ =	shalt  }

// kernel: sparse-core-data-format-call.cloned.1.call-start
scs
called_computation_lowered:
.L_overlay_start_0:
0x0: {  	s2 =	sld [smem:$0x3FD9]  }
0x1: {  	s3 =	sld [smem:$0x3FFE];
	_ =	sdelay $0x1  }
0x2: {  	s1 =	srdreg.scid  }
0x3: {  	s0 =	sand.u32 $0x1, s1  }
0x4: {  	s18 =	sshll.u32 s0, $0xA;
	s2 =	sadd.s32 s3, s2  }
0x5: {  	s2 =	sadd.s32 s2, s18  }
0x6: {  	[smem:$0x3FC6] =	sst s2  }
0x7: {  	_ = 	snop  }
0x8: {  	s2 =	sld [smem:$0x3FD0];
	(tm) =	ssettm $0x1  }
0x9: {  	s19 =	sld [smem:$0x3FFB];
	_ =	sdelay $0x3  }
0xa: {  	_ =	strace s19  }
0xb: {  	s3 =	sld [smem:$0x3FFC];
	_ =	sdelay $0x3  }
0xc: {  	_ =	strace s3  }
0xd: {  	s3 =	sld [smem:$0x3FFD];
	_ =	sdelay $0x3  }
0xe: {  	_ =	strace s3  }
0xf: {  	_ =	strace $0x8FFFFFFF  }
0x10: {  	s20 =	sld [smem:$0x3FDB];
	_ =	sdelay $0x1  }
0x11: {  	s4 =	simm.s32 $_scs_section_size  }
0x12: {  	s5 =	simm.s32 $_size__tile_overlayer_lowered;
	s6 =	simm.s32 $_tile_overlayer_lowered  }
0x13: {  	s23 =	simm.s32 $0x1BFF;
	s22 =	sshll.u32 s6, $0x1;
	s3 =	sadd.s32 s4, s20  }
0x14: {  	s7 =	simm.s32 $0x0;
	s21 =	sshll.u32 s5, $0x1;
	s5 =	sadd.s32 s22, s3  }
0x15: {  	[timem:s7], [sflag:s23] =	dma.local [hbm:s5], s21  }
0x16: {  	_ =	swait.ge [sflag:s23], s21  }
0x17: {  	s4 =	ssub.s32 $0x0, s21;
	[sflag:s23] =	ssyncset.done $0x0  }
0x18: {  	[sflag:s23] =	ssyncadd.s32 s4;
	_ =	sdelay $0x1  }
0x19: {  	s24 =	simm.s32 $0x1B8B  }
0x1a: {  	_ =	swait.ge [sflag:s24], $0x1  }
0x1b: {  	[sflag:s24] =	ssyncset.done $0x0  }
0x1c: {  	s26 =	simm.s32 $0x1B8E;
	s25 =	sld [smem:$0x3FFE];
	[sflag:s24] =	ssyncadd.s32 $0xFFFFFFFF  }
0x1d: {  	s27 =	simm.s32 $execute0_lowered;
	[smem:$0x3FD2] =	sst s26  }
0x1e: {  	s5 =	sshll.u32 s27, $0x1;
	_ =	strace $0x80000049;
	[dreg:$0x1] =	wrdreg $0xFFFFFFFF  }
0x1f: {  	s28 =	simm.s32 $_size_execute0_lowered;
	s3 =	sadd.s32 s3, s5;
	[dreg:$0x0] =	wrdreg $0x0  }
0x20: {  	s5 =	sshll.u32 s28, $0x1;
	[dreg:$0x2] =	wrdreg s3  }
0x21: {  	[dreg:$0x3] =	wrdreg s5  }
0x22: {  	[dreg:$0x4] =	wrdreg $0xC0  }
0x23: {  	_ =	task [dreg:s7], $0x5FFFF  }
0x24: {  	[dreg:$0x1] =	wrdreg $0xFFFFFFFF  }
0x25: {  	[dreg:$0x0] =	wrdreg $0x60  }
0x26: {  	[dreg:$0x2] =	wrdreg s25  }
0x27: {  	[dreg:$0x3] =	wrdreg s2  }
0x28: {  	[dreg:$0x4] =	wrdreg $0x9  }
0x29: {  	_ =	task.clear_ibuf [dreg:s7], $0x5FFFF;
	_ =	strace $0x90000049  }
0x2a: {  	s29 =	simm.s32 $0x9;
	_ =	strace $0x8000004B  }
0x2b: {  	_ =	swait.ge [sflag:s29], $0x1  }
0x2c: {  	[sflag:s29] =	ssyncadd.s32 $0xFFFFFFFF  }
0x2d: {  	_ =	strace $0x9000004B  }
0x2e: {  	_ =	sfence  }
0x2f: {  	s30 =	sld [smem:$0x0];
	_ =	sdelay $0x2  }
0x30: {  	s31 =	sshll.u32 s1, $0xD;
	s1 =	sshrl.u32 s1, $0x2  }
0x31: {  	s3 =	sand.u32 $0x4000, s31;
	s1 =	sadd.s32 s1, s30  }
0x32: {  	s0 =	sor.u32 s3, s0;
	s1 =	sshll.u32 s1, $0x11  }
0x33: {  	s0 =	sor.u32 s1, s0  }
0x34: {  	s0 =	sadd.s32 $0x8F2B, s0  }
0x35: {  	[sflag:s0] =	ssyncadd.remote.s32 $0x1  }
0x36: {  	_ =	sfence.sel $0xFFFF  }
0x37: {  	[dreg:$0x0] =	wrdreg $0xFFFFFFFF;
	(pc) =	sbr.abs _section_cstart, $3  }
0x38: {  	[dreg:$0x1] =	wrdreg $0xFFFFFFFF  }
0x39: {  	_ =	task.clear_ibuf [dreg:s7], $0x2FFFF;
	_ =	strace $0x9FFFFFFF  }
0x3a: {  	(tm) =	ssettm $0x7FFFFFFF  }
0x3b: {  	_ =	shalt  }
tec
execute0_lowered:
.L_overlay_start_1:
0x0: {  	(tag) =	ssettag $0x1  }
0x1: {  	s0 =	srdreg.scid  }
0x2: {  	s1 =	sshll.u32 s0, $0x4  }
0x3: {  	s0 =	stileid.u32;
	s1 =	sand.u32 $0x10, s1  }
0x4: {  	s1 =	sor.u32 s0, s1  }
0x5: {  	s6 =	rddreg [dreg:$0x0];
	s4 =	simm.s32 $0x1;
	s2 =	sshll.u32 s1, $0x7  }
0x6: {  	s7 =	simm.s32 $0x2;
	s12 =	simm.s32 $0x0;
	s1 =	ssub.s32 $0x1000, s2  }
0x7: {  	s8 =	simm.s32 $0x8000;
	s13 =	simm.s32 $0x0;
	s3 =	sand.u32 $0xF80, s1  }
0x8: {  	s9 =	simm.s32 $0x0;
	s5 =	sshrl.u32 s1, $0xC;
	p0 =	sne.s32 s3, $0x0  }
.Ltmp0:
0x9: {  	s1 =	rddreg [dreg:$0x2];
	s4 =	simm.s32 @!p0 $0x0;
	(pc) =	sbr.rel .LBB1_1-.Ltmp0, $4  }
0xa: {  	s11 =	simm.s32 $0x0;
	s3 =	rddreg [dreg:$0x1];
	s5 =	sadd.s32 s4, s5  }
0xb: {  	_ =	strace $0x8000004A;
	s4 =	simm.s32 $0x1;
	s5 =	smul.u32 $0x32, s5  }
0xc: {  	s6 =	sadd.s32 $0xA00, s6;
	s10 =	smov.u32 s2;
	[sflag:s4] =	ssyncpa.u1 $0x0  }
0xd: {  	p0 =	por $0x0, $0x0;
	[sflag:s7] =	ssyncpa.u1 $0x0;
	s7 =	sor.u32 $0x1, s5  }
.LBB1_4:
0xe: {  	s16 =	sshll.u32 s13, $0x3;
	s17 =	sand.u32 $0x78, s13  }
0xf: {  	s30 =	sand.u32 $0x7E00, s13;
	s12 =	sshll.u32 s12, $0xF;
	s16 =	sand.u32 $0xC00, s16  }
0x10: {  	[tilespmem:s15+$0x810 ss:$0x81] =	vst.msk $0xffff, v2;
	s31 =	sand.u32 $0x7, s13;
	s16 =	sor.u32 s17, s16;
	s17 =	sadd.s32 s3, s30  }
0x11: {  	[tilespmem:s15+$0x1020 ss:$0x81] =	vst.msk $0xffff, v0;
	s13 =	sshll.u32 s31, $0x12;
	s12 =	sadd.s32 s12, s17;
	s16 =	sshrl.u32 s16, $0x3  }
0x12: {  	[tilespmem:s15+$0x0 ss:$0x81] =	vst.msk $0xffff, v1;
	s13 =	sor.u32 $0x400, s13;
	s12 =	sadd.s32 s16, s12  }
0x13: {  	[hbm4b:s12+s13] =	stream.strided.scatter [tilespmem:s14], [sflag:$0x2], $0x2000, s8, s13, $0x20;
	[tilespmem:$0x8080] =	vst v63  }
.LBB1_5:
0x14: {  	s14 =	sadd.s32 $0x1, s9  }
0x15: {  	s12 =	sadd.s32 $0x1000, s10;
	s16 =	smov.u32 s10;
	p2 =	sgt.s32 s14, $0x31  }
0x16: {  	s16 =	smov.u32 @p2 s12  }
0x17: {  	s14 =	simm.s32 @p2 $0x0;
	p2 =	sgt.s32 s16, $0xFFF  }
0x18: {  	s16 =	smov.u32 @p2 s2;
	p2 =	sne.s32 s11, s7  }
.Ltmp1:
0x19: {  	p1 =	slt.u32 s11, $0x2;
	(pc) =	sbr.rel @!p2 .LBB1_6-.Ltmp1, $4  }
0x1a: {  	s15 =	simm.s32 @!p1 $0x2  }
0x1b: {  	s13 =	smov.u32 s10;
	p0 =	por !p0, !p0;
	_ =	swait.ge @!p1 [sflag:s15], $0x2000  }
0x1c: {  	s12 =	smov.u32 s9;
	[sflag:s15] =	ssyncset.done @!p1 $0x0;
	s9 =	smov.u32 s14  }
0x1d: {  	s11 =	sadd.s32 $0x1, s11;
	[sflag:s15] =	ssyncadd.s32 @!p1 $0xFFFFE000;
	s10 =	smov.u32 s16  }
.LBB1_1:
0x1e: {  	p1 =	sge.u32 s11, s5  }
0x1f: {  	s14 =	sand.u32 @!p1 $0x1FFFFFF, s9  }
0x20: {  	s15 =	smulhi.u32 @!p1 $0x4924925, s14;
	_ =	sdelay $0x1  }
0x21: {  	s15 =	smul.u32 @!p1 $0x38, s15  }
0x22: {  	s16 =	sxor.u32 @!p1 $0xFFFFFFFF, s11;
	s17 =	smul.u32 @!p1 $0x380, s10  }
0x23: {  	s31 =	sadd.s32 $0xFFFFFFFF, s11;
	s16 =	sshll.u32 @!p1 s16, $0xD;
	s14 =	ssub.s32 @!p1 s14, s15  }
0x24: {  	s15 =	sand.u32 @!p1 $0x2000, s16;
	s16 =	sadd.s32 @!p1 s6, s17;
	s14 =	sshll.u32 @!p1 s14, $0x4  }
0x25: {  	s17 =	simm.s32 @!p1 $0x1C00;
	s14 =	sadd.s32 @!p1 s14, s16;
	s16 =	simm.s32 @!p1 $0x40  }
0x26: {  	[tilespmem:s15], [sflag:$0x1] =	stream.strided.gather @!p1 [hbm4b:s14+s16], $0x2000, s17, s16, $0x38;
	[tilespmem:$0x8080] =	vst v63  }
0x27: {  	p1 =	sge.u32 s31, s5  }
.Ltmp2:
0x28: {  	_ = 	snop;
	(pc) =	sbr.rel @p1 .LBB1_5-.Ltmp2, $1  }
0x29: {  	_ =	sdelay $0x3  }
0x2a: {  	s14 =	simm.s32 $0x1  }
0x2b: {  	_ =	swait.ge [sflag:s4], $0x2000;
	s14 =	simm.s32 @!p0 $0x0  }
0x2c: {  	[sflag:s4] =	ssyncset.done $0x0;
	s15 =	sshll.u32 s14, $0xD  }
0x2d: {  	[sflag:s4] =	ssyncadd.s32 $0xFFFFE000;
	s18 =	sor.u32 $0x20, s15  }
0x2e: {  	s14 =	smul.u32 $0x8100, s14;
	v3 =	vld [tilespmem:s18+$0x10]  }
0x2f: {  	s30 =	sand.u32 $0x1, s11;
	v2 =	vld [tilespmem:s18+$0xFFFFFFF0]  }
0x30: {  	s15 =	smul.u32 $0x8100, s30;
	s14 =	sshrl.u32 s14, $0x2;
	v0 =	vld [tilespmem:s18+$0x0]  }
0x31: {  	v1 =	vld [tilespmem:s18+$0xFFFFFFE0];
	s16 =	sor.u32 $0x4000, s14  }
0x32: {  	s31 =	sshrl.u32 s15, $0x2;
	s15 =	sadd.s32 $0x0, s16  }
0x33: {  	s17 =	simm.s32 $0x4;
	s18 =	sadd.s32 $0x40, s18;
	s14 =	sor.u32 $0x4000, s31;
	[tilespmem:s15+$0x1830 ss:$0x81] =	vst.msk $0xffff, v3  }
.LBB1_3:
0x34: {  	v3 =	vld [tilespmem:s18+$0x10];
	p1 =	sne.s32 s17, $0x1FC;
	[tilespmem:s15+$0x810 ss:$0x81] =	vst.msk $0xffff, v2;
	s19 =	smov.u32 s17;
	s17 =	sadd.s32 $0x4, s17  }
.Ltmp3:
0x35: {  	v2 =	vld [tilespmem:s18+$0xFFFFFFF0];
	[tilespmem:s15+$0x1020 ss:$0x81] =	vst.msk $0xffff, v0;
	(pc) =	sbr.rel @p1 .LBB1_3-.Ltmp3, $4  }
0x36: {  	v0 =	vld [tilespmem:s18+$0x0];
	[tilespmem:s15+$0x0 ss:$0x81] =	vst.msk $0xffff, v1  }
0x37: {  	s15 =	sshra.s32 s19, $0x2;
	v1 =	vld [tilespmem:s18+$0xFFFFFFE0]  }
0x38: {  	s15 =	sadd.s32 s15, s16  }
0x39: {  	s18 =	sadd.s32 $0x40, s18;
	[tilespmem:s15+$0x1830 ss:$0x81] =	vst.msk $0xffff, v3  }
.Ltmp4:
0x3a: {  	_ = 	snop;
	(pc) =	sbr.rel .LBB1_4-.Ltmp4, $1  }
0x3b: {  	_ =	sdelay $0x3  }
.LBB1_6:
0x3c: {  	_ =	sfence.sel $0x180000  }
0x3d: {  	s2 =	simm.s32 $0x1;
	[bflag:$0x0] =	sbarrier.arrive $0xFFFF  }
0x3e: {  	s31 =	simm.s32 $0x2;
	[sflag:s2] =	ssyncpa.u1 $0x1  }
0x3f: {  	[sflag:s31] =	ssyncpa.u1 $0x1  }
0x40: {  	p0 =	sne.s32 s0, $0x0;
	_ =	strace $0x9000004A  }
0x41: {  	s0 =	sadd.s32 @!p0 $0x100000, s1;
	[bflag:$0x2] =	sbarrier.arrive $0xFFFF  }
0x42: {  	[sflag:s0] =	ssyncadd.tile.s32 @!p0 $0x1;
	_ =	shalt  }
.Lfunc_end1:
_tile_overlayer_lowered:
.L_overlay_start_2:
0x43: {  	(tag) =	ssettag $0x2  }
0x44: {  	s0 =	rddreg [dreg:$0x0];
	s2 =	stileid.u32  }
0x45: {  	s1 =	rddreg [dreg:$0x1];
	p0 =	sne.s32 s2, $0x0  }
0x46: {  	s3 =	rddreg [dreg:$0x2];
	[bflag:$0x3] =	sbarrier.arrive $0xFFFF;
	s2 =	simm.s32 @!p0 $0x1C01  }
0x47: {  	[timem:s3], [sflag:s2] =	dma.local @!p0 [hbm:s0], s1  }
0x48: {  	s0 =	simm.s32 @!p0 $0x1  }
0x49: {  	_ =	swait.ge @!p0 [sflag:s0], s1  }
0x4a: {  	s1 =	ssub.s32 @!p0 $0x0, s1;
	[sflag:s0] =	ssyncset.done @!p0 $0x0  }
0x4b: {  	[sflag:s0] =	ssyncadd.s32 @!p0 s1  }
0x4c: {  	[bflag:$0x3] =	sbarrier.arrive $0xFFFF  }
0x4d: {  	_ =	shalt  }

</sc_bundles>
